<compile_context>
chip_gen: v7x
topology: tpu7x:2x2x1
jax: 0.10.2.dev20260603
libtpu: 0.0.44.dev20260713+nightly
codegen_flags: <defaults>
</compile_context>

<pallas_src>
import functools

import jax
import jax.numpy as jnp
from jax import lax
from jax.experimental import pallas as pl
from jax.experimental.pallas import tpu as pltpu
from jax.experimental.pallas import tpu_sc as plsc

EMB_DIM = 128
EPS = 1e-5

_NC = 2
_NS = 16
_NW = _NC * _NS

_CH = 128


def _sc_gather(idx_flat, table):
    n = idx_flat.shape[0]
    b_per_w = n // _NW
    nch = b_per_w // _CH
    mesh = plsc.VectorSubcoreMesh(core_axis_name="c", subcore_axis_name="s")

    nbuf = 4
    assert nch % nbuf in (0, 2)

    @functools.partial(
        pl.kernel,
        out_type=jax.ShapeDtypeStruct((n, EMB_DIM), jnp.float32),
        mesh=mesh,
        scratch_types=[
            pltpu.VMEM((b_per_w,), jnp.int32),
            pltpu.VMEM((nbuf, _CH, EMB_DIM), jnp.float32),
        ] + [pltpu.SemaphoreType.DMA] * nbuf,
    )
    def gather_kernel(idx_hbm, table_hbm, out_hbm, idx_v, bufs, *sems):
        wid = lax.axis_index("s") * _NC + lax.axis_index("c")
        base = wid * b_per_w
        pltpu.sync_copy(idx_hbm.at[pl.ds(base, b_per_w)], idx_v)

        def gather_into(g, b):
            off = pl.multiple_of(g * _CH, _CH)
            pltpu.async_copy(table_hbm.at[idx_v.at[pl.ds(off, _CH)]],
                             bufs.at[b], sems[b])

        def wait_gather(b):
            pltpu.make_async_copy(table_hbm.at[pl.ds(0, _CH)], bufs.at[b],
                                  sems[b]).wait()

        def scatter_out(g, b):
            off = pl.multiple_of(g * _CH, _CH)
            pltpu.sync_copy(bufs.at[b], out_hbm.at[pl.ds(base + off, _CH)])

        for b in range(nbuf):
            gather_into(b, b)

        def step(q, carry):
            g0 = pl.multiple_of(q * nbuf, nbuf)
            for b in range(nbuf):
                wait_gather(b)
                scatter_out(g0 + b, b)

                @pl.when(g0 + b + nbuf < nch)
                def _():
                    gather_into(g0 + b + nbuf, b)

            return carry

        lax.fori_loop(0, nch // nbuf, step, 0)
        for b in range(nch % nbuf):
            wait_gather(b)
            scatter_out(nch - (nch % nbuf) + b, b)

    return gather_kernel(idx_flat, table)


_ROWS = 8192


def _ln_body(emb_ref, types_ref, ttab_ref, gamma_ref, beta_ref, out_ref):
    _ln_math(emb_ref, types_ref, ttab_ref, gamma_ref, beta_ref, out_ref)


def _ln_body_aliased(big_ref, emb_ref, types_ref, ttab_ref, gamma_ref,
                     beta_ref, out_ref):
    del big_ref
    _ln_math(emb_ref, types_ref, ttab_ref, gamma_ref, beta_ref, out_ref)


def _ln_math(emb_ref, types_ref, ttab_ref, gamma_ref, beta_ref, out_ref):
    x = emb_ref[...]
    t = types_ref[0, 0, :][:, None]
    te = jnp.where(
        t == 0,
        ttab_ref[0:1, :],
        jnp.where(t == 1, ttab_ref[1:2, :], ttab_ref[2:3, :]),
    )
    y = x + te
    j = jnp.full((EMB_DIM, EMB_DIM), 1.0 / EMB_DIM, dtype=jnp.float32)
    mean = lax.dot(y, j, precision=lax.Precision.DEFAULT)
    sqmean = lax.dot(y * y, j, precision=lax.Precision.DEFAULT)
    var = sqmean - mean * mean
    normed = (y - mean) * lax.rsqrt(var + EPS)
    out_ref[...] = normed * gamma_ref[...] + beta_ref[...]


def _tc_ln_slab(big, emb_s, types3d_s, ttab, gamma2d, beta2d, blk0, n):
    n_s = emb_s.shape[0]
    grid = n_s // _ROWS
    common_specs = [
        pl.BlockSpec((_ROWS, EMB_DIM), lambda i: (i, 0)),
        pl.BlockSpec((1, 1, _ROWS), lambda i: (i, 0, 0)),
        pl.BlockSpec((8, EMB_DIM), lambda i: (0, 0)),
        pl.BlockSpec((1, EMB_DIM), lambda i: (0, 0)),
        pl.BlockSpec((1, EMB_DIM), lambda i: (0, 0)),
    ]
    out_spec = pl.BlockSpec((_ROWS, EMB_DIM), lambda i: (i + blk0, 0))
    if big is None:
        return pl.pallas_call(
            _ln_body,
            out_shape=jax.ShapeDtypeStruct((n, EMB_DIM), jnp.float32),
            grid=(grid,),
            in_specs=common_specs,
            out_specs=out_spec,
        )(emb_s, types3d_s, ttab, gamma2d, beta2d)
    return pl.pallas_call(
        _ln_body_aliased,
        out_shape=jax.ShapeDtypeStruct((n, EMB_DIM), jnp.float32),
        grid=(grid,),
        in_specs=[pl.BlockSpec((8, EMB_DIM), lambda i: (0, 0))] + common_specs,
        out_specs=out_spec,
        input_output_aliases={0: 0},
    )(big, emb_s, types3d_s, ttab, gamma2d, beta2d)


_SLAB_UNITS = (13, 12)


def kernel(input_tensor, token_type_tensor, token_table, token_type_table,
           gamma, beta):
    batch, seq = input_tensor.shape
    n = batch * seq
    idx_flat = input_tensor.reshape(n).astype(jnp.int32)
    types_flat = token_type_tensor.reshape(n).astype(jnp.int32)
    ttab = jnp.pad(token_type_table, ((0, 5), (0, 0)))
    gamma2d = gamma.reshape(1, EMB_DIM)
    beta2d = beta.reshape(1, EMB_DIM)

    bounds = []
    row0 = 0
    for u in _SLAB_UNITS:
        bounds.append((row0, row0 + u * _ROWS))
        row0 += u * _ROWS
    assert row0 == n

    embs = [_sc_gather(lax.slice(idx_flat, (lo,), (hi,)), token_table)
            for lo, hi in bounds]
    big = None
    for (lo, hi), emb_s in zip(bounds, embs):
        n_s = hi - lo
        types3d_s = lax.slice(types_flat, (lo,), (hi,)).reshape(
            n_s // _ROWS, 1, _ROWS)
        big = _tc_ln_slab(big, emb_s, types3d_s, ttab, gamma2d, beta2d,
                          lo // _ROWS, n)
    return big.reshape(batch, seq, EMB_DIM)

# --- scband reference (transcript-rebuilt; emitter-appended) ---
"""Pipeline reference for scband-joint-embedding-82978768159412 (READ-ONLY COPY).

The authoritative reference and input builder live on the scoring server;
editing this copy changes nothing except your own understanding.
"""

import jax, jax.numpy as jnp
import numpy as np

VOCAB = 100000
EMB_DIM = 128
BATCH = 1024
SEQ = 200
PAD_IDX = 0
EPS = 1e-5


def setup_inputs(seed: int = 0) -> dict:
    key = jax.random.key(seed)
    k1, k2, k3, k4 = jax.random.split(key, 4)
    input_tensor = jax.random.randint(k1, (BATCH, SEQ), 0, VOCAB, dtype=jnp.int64 if jax.config.jax_enable_x64 else jnp.int32)
    token_type_tensor = jax.random.randint(k2, (BATCH, SEQ), 0, 3, dtype=jnp.int64 if jax.config.jax_enable_x64 else jnp.int32)
    token_table = jax.random.normal(k3, (VOCAB, EMB_DIM), dtype=jnp.float32) * 0.02
    token_table = token_table.at[PAD_IDX].set(0.0)  # padding_idx row zeroed as in nn.Embedding
    token_type_table = jax.random.normal(k4, (3, EMB_DIM), dtype=jnp.float32) * 0.02
    gamma = jnp.ones((EMB_DIM,), dtype=jnp.float32)
    beta = jnp.zeros((EMB_DIM,), dtype=jnp.float32)
    return {
        "input_tensor": input_tensor,
        "token_type_tensor": token_type_tensor,
        "token_table": token_table,
        "token_type_table": token_type_table,
        "gamma": gamma,
        "beta": beta,
    }


def reference(input_tensor, token_type_tensor, token_table, token_type_table, gamma, beta):
    # embedding lookups (SparseCore-style gathers)
    token_emb = jnp.take(token_table, input_tensor, axis=0)
    token_type_emb = jnp.take(token_type_table, token_type_tensor, axis=0)
    emb = token_emb + token_type_emb
    # LayerNorm over last dim (elementwise affine)
    mean = jnp.mean(emb, axis=-1, keepdims=True)
    var = jnp.mean((emb - mean) ** 2, axis=-1, keepdims=True)
    normed = (emb - mean) / jnp.sqrt(var + EPS)
    out = normed * gamma + beta
    # dropout is identity in eval/inference mode
    return out

if __name__ == "__main__":
    import jax
    _d = setup_inputs()
    print(jax.jit(kernel)(*tuple(_d.values())))

</pallas_src>

<mosaic_0001>
#map = affine_map<(d0, d1) -> (0)>
#map1 = affine_map<(d0, d1) -> (0, 0)>
module attributes {stable_mosaic.version = 14 : i64} {
  func.func @gather_kernel(%arg0: i32, %arg1: i32, %arg2: memref<106496xi32, #tpu.memory_space<hbm>>, %arg3: memref<100000x128xf32, #tpu.memory_space<hbm>>, %arg4: memref<106496x128xf32, #tpu.memory_space<hbm>>, %arg5: memref<3328xi32, #tpu.memory_space<vmem>>, %arg6: memref<4x128x128xf32, #tpu.memory_space<vmem>>, %arg7: memref<!tpu.dma_semaphore, #tpu.memory_space<semaphore_mem>>, %arg8: memref<!tpu.dma_semaphore, #tpu.memory_space<semaphore_mem>>, %arg9: memref<!tpu.dma_semaphore, #tpu.memory_space<semaphore_mem>>, %arg10: memref<!tpu.dma_semaphore, #tpu.memory_space<semaphore_mem>>) attributes {dimension_semantics = [#tpu.dimension_semantics<core_parallel>, #tpu.dimension_semantics<subcore_parallel>], iteration_bounds = array<i64: 2, 16>, scalar_prefetch = 0 : i64, scratch_operands = 6 : i64, tpu.core_type = #tpu.core_type<sc_vector_subcore>, window_params = [{transform_indices = #map}, {transform_indices = #map1}, {transform_indices = #map1}]} {
    %mul3A = arith.constant 2 : i32
    %mul3A_0 = arith.muli %arg1, %mul3A : i32
    %add3A = arith.addi %mul3A_0, %arg0 : i32
    %mul3A_1 = arith.constant 3328 : i32
    %mul3A_2 = arith.muli %add3A, %mul3A_1 : i32
    "tpu.region"() ({
      %run_scoped3A_86 = tpu.sem_alloc : memref<!tpu.dma_semaphore, #tpu.memory_space<semaphore_mem>>
      %dma_start3A_87 = tpu.memref_slice %arg2[%mul3A_2] : memref<106496xi32, #tpu.memory_space<hbm>> -> memref<3328xi32, #tpu.memory_space<hbm>>
      %dma_start3A_88 = tpu.memref_slice %arg2[%mul3A_2] : memref<106496xi32, #tpu.memory_space<hbm>> -> memref<3328xi32, #tpu.memory_space<hbm>>
      tpu.enqueue_dma source(%dma_start3A_88 : memref<3328xi32, #tpu.memory_space<hbm>>) target(%arg5 : memref<3328xi32, #tpu.memory_space<vmem>>) target_semaphore(%run_scoped3A_86 : memref<!tpu.dma_semaphore, #tpu.memory_space<semaphore_mem>>)
      %dma_wait3A_89 = tpu.memref_slice %arg2[%mul3A_2] : memref<106496xi32, #tpu.memory_space<hbm>> -> memref<3328xi32, #tpu.memory_space<hbm>>
      %dma_wait3A_90 = tpu.memref_slice %arg2[%mul3A_2] : memref<106496xi32, #tpu.memory_space<hbm>> -> memref<3328xi32, #tpu.memory_space<hbm>>
      tpu.wait_dma2 semaphore(%run_scoped3A_86 : memref<!tpu.dma_semaphore, #tpu.memory_space<semaphore_mem>>) src(%dma_wait3A_90 : memref<3328xi32, #tpu.memory_space<hbm>>) dst(%arg5 : memref<3328xi32, #tpu.memory_space<vmem>>)
      tpu.yield
    }) : () -> ()
    %multiple_of3A = arith.constant 0 : i32
    %multiple_of3A_3 = tpu.assume_multiple %multiple_of3A, 128 : i32
    %dma_start3A = arith.constant 0 : i32
    %dma_start3A_4 = arith.constant 0 : i32
    %dma_start3A_5 = arith.constant 0 : i32
    %dma_start3A_6 = tpu.memref_slice %arg6[%dma_start3A, %dma_start3A_4, %dma_start3A_5] : memref<4x128x128xf32, #tpu.memory_space<vmem>> -> memref<1x128x128xf32, #tpu.memory_space<vmem>>
    %dma_start3A_7 = tpu.memref_squeeze %dma_start3A_6 : memref<1x128x128xf32, #tpu.memory_space<vmem>> -> memref<128x128xf32, #tpu.memory_space<vmem>>
    %dma_start3A_8 = tpu.memref_slice %arg5[%multiple_of3A_3] : memref<3328xi32, #tpu.memory_space<vmem>> -> memref<128xi32, #tpu.memory_space<vmem>>
    %dma_start3A_9 = arith.constant 0 : i32
    %dma_start3A_10 = arith.constant 0 : i32
    %dma_start3A_11 = tpu.memref_slice %arg3[%dma_start3A_9, %dma_start3A_10] : memref<100000x128xf32, #tpu.memory_space<hbm>> -> memref<100000x128xf32, #tpu.memory_space<hbm>>
    tpu.enqueue_indirect_dma source(%dma_start3A_11 : memref<100000x128xf32, #tpu.memory_space<hbm>>) target(%dma_start3A_7 : memref<128x128xf32, #tpu.memory_space<vmem>>) offsets(%dma_start3A_8 : memref<128xi32, #tpu.memory_space<vmem>>) semaphore(%arg7 : memref<!tpu.dma_semaphore, #tpu.memory_space<semaphore_mem>>)
    %multiple_of3A_12 = arith.constant 128 : i32
    %multiple_of3A_13 = tpu.assume_multiple %multiple_of3A_12, 128 : i32
    %dma_start3A_14 = arith.constant 1 : i32
    %dma_start3A_15 = arith.constant 0 : i32
    %dma_start3A_16 = arith.constant 0 : i32
    %dma_start3A_17 = tpu.memref_slice %arg6[%dma_start3A_14, %dma_start3A_15, %dma_start3A_16] : memref<4x128x128xf32, #tpu.memory_space<vmem>> -> memref<1x128x128xf32, #tpu.memory_space<vmem>>
    %dma_start3A_18 = tpu.memref_squeeze %dma_start3A_17 : memref<1x128x128xf32, #tpu.memory_space<vmem>> -> memref<128x128xf32, #tpu.memory_space<vmem>>
    %dma_start3A_19 = tpu.memref_slice %arg5[%multiple_of3A_13] : memref<3328xi32, #tpu.memory_space<vmem>> -> memref<128xi32, #tpu.memory_space<vmem>>
    %dma_start3A_20 = arith.constant 0 : i32
    %dma_start3A_21 = arith.constant 0 : i32
    %dma_start3A_22 = tpu.memref_slice %arg3[%dma_start3A_20, %dma_start3A_21] : memref<100000x128xf32, #tpu.memory_space<hbm>> -> memref<100000x128xf32, #tpu.memory_space<hbm>>
    tpu.enqueue_indirect_dma source(%dma_start3A_22 : memref<100000x128xf32, #tpu.memory_space<hbm>>) target(%dma_start3A_18 : memref<128x128xf32, #tpu.memory_space<vmem>>) offsets(%dma_start3A_19 : memref<128xi32, #tpu.memory_space<vmem>>) semaphore(%arg8 : memref<!tpu.dma_semaphore, #tpu.memory_space<semaphore_mem>>)
    %multiple_of3A_23 = arith.constant 256 : i32
    %multiple_of3A_24 = tpu.assume_multiple %multiple_of3A_23, 128 : i32
    %dma_start3A_25 = arith.constant 2 : i32
    %dma_start3A_26 = arith.constant 0 : i32
    %dma_start3A_27 = arith.constant 0 : i32
    %dma_start3A_28 = tpu.memref_slice %arg6[%dma_start3A_25, %dma_start3A_26, %dma_start3A_27] : memref<4x128x128xf32, #tpu.memory_space<vmem>> -> memref<1x128x128xf32, #tpu.memory_space<vmem>>
    %dma_start3A_29 = tpu.memref_squeeze %dma_start3A_28 : memref<1x128x128xf32, #tpu.memory_space<vmem>> -> memref<128x128xf32, #tpu.memory_space<vmem>>
    %dma_start3A_30 = tpu.memref_slice %arg5[%multiple_of3A_24] : memref<3328xi32, #tpu.memory_space<vmem>> -> memref<128xi32, #tpu.memory_space<vmem>>
    %dma_start3A_31 = arith.constant 0 : i32
    %dma_start3A_32 = arith.constant 0 : i32
    %dma_start3A_33 = tpu.memref_slice %arg3[%dma_start3A_31, %dma_start3A_32] : memref<100000x128xf32, #tpu.memory_space<hbm>> -> memref<100000x128xf32, #tpu.memory_space<hbm>>
    tpu.enqueue_indirect_dma source(%dma_start3A_33 : memref<100000x128xf32, #tpu.memory_space<hbm>>) target(%dma_start3A_29 : memref<128x128xf32, #tpu.memory_space<vmem>>) offsets(%dma_start3A_30 : memref<128xi32, #tpu.memory_space<vmem>>) semaphore(%arg9 : memref<!tpu.dma_semaphore, #tpu.memory_space<semaphore_mem>>)
    %multiple_of3A_34 = arith.constant 384 : i32
    %multiple_of3A_35 = tpu.assume_multiple %multiple_of3A_34, 128 : i32
    %dma_start3A_36 = arith.constant 3 : i32
    %dma_start3A_37 = arith.constant 0 : i32
    %dma_start3A_38 = arith.constant 0 : i32
    %dma_start3A_39 = tpu.memref_slice %arg6[%dma_start3A_36, %dma_start3A_37, %dma_start3A_38] : memref<4x128x128xf32, #tpu.memory_space<vmem>> -> memref<1x128x128xf32, #tpu.memory_space<vmem>>
    %dma_start3A_40 = tpu.memref_squeeze %dma_start3A_39 : memref<1x128x128xf32, #tpu.memory_space<vmem>> -> memref<128x128xf32, #tpu.memory_space<vmem>>
    %dma_start3A_41 = tpu.memref_slice %arg5[%multiple_of3A_35] : memref<3328xi32, #tpu.memory_space<vmem>> -> memref<128xi32, #tpu.memory_space<vmem>>
    %dma_start3A_42 = arith.constant 0 : i32
    %dma_start3A_43 = arith.constant 0 : i32
    %dma_start3A_44 = tpu.memref_slice %arg3[%dma_start3A_42, %dma_start3A_43] : memref<100000x128xf32, #tpu.memory_space<hbm>> -> memref<100000x128xf32, #tpu.memory_space<hbm>>
    tpu.enqueue_indirect_dma source(%dma_start3A_44 : memref<100000x128xf32, #tpu.memory_space<hbm>>) target(%dma_start3A_40 : memref<128x128xf32, #tpu.memory_space<vmem>>) offsets(%dma_start3A_41 : memref<128xi32, #tpu.memory_space<vmem>>) semaphore(%arg10 : memref<!tpu.dma_semaphore, #tpu.memory_space<semaphore_mem>>)
    %scan3A = arith.constant 0 : i32
    %scan3A_45 = arith.constant 0 : i32
    %scan3A_46 = arith.constant 6 : i32
    %scan3A_47 = arith.addi %scan3A_45, %scan3A_46 : i32
    %scan3A_48 = arith.constant 1 : i32
    scf.for %scan3A_86 = %scan3A_45 to %scan3A_47 step %scan3A_48  : i32 {
      %mul3A_87 = arith.constant 4 : i32
      %mul3A_88 = arith.muli %scan3A_86, %mul3A_87 : i32
      %multiple_of3A_89 = tpu.assume_multiple %mul3A_88, 4 : i32
      %dma_wait3A_90 = arith.constant 0 : i32
      %dma_wait3A_91 = arith.constant 0 : i32
      %dma_wait3A_92 = arith.constant 0 : i32
      %dma_wait3A_93 = tpu.memref_slice %arg6[%dma_wait3A_90, %dma_wait3A_91, %dma_wait3A_92] : memref<4x128x128xf32, #tpu.memory_space<vmem>> -> memref<1x128x128xf32, #tpu.memory_space<vmem>>
      %dma_wait3A_94 = tpu.memref_squeeze %dma_wait3A_93 : memref<1x128x128xf32, #tpu.memory_space<vmem>> -> memref<128x128xf32, #tpu.memory_space<vmem>>
      %dma_wait3A_95 = arith.constant 0 : i32
      %dma_wait3A_96 = arith.constant 0 : i32
      %dma_wait3A_97 = tpu.memref_slice %arg3[%dma_wait3A_95, %dma_wait3A_96] : memref<100000x128xf32, #tpu.memory_space<hbm>> -> memref<128x128xf32, #tpu.memory_space<hbm>>
      %dma_wait3A_98 = arith.constant 0 : i32
      %dma_wait3A_99 = arith.constant 0 : i32
      %dma_wait3A_100 = tpu.memref_slice %arg6[%dma_wait3A_90, %dma_wait3A_98, %dma_wait3A_99] : memref<4x128x128xf32, #tpu.memory_space<vmem>> -> memref<1x128x128xf32, #tpu.memory_space<vmem>>
      %dma_wait3A_101 = tpu.memref_squeeze %dma_wait3A_100 : memref<1x128x128xf32, #tpu.memory_space<vmem>> -> memref<128x128xf32, #tpu.memory_space<vmem>>
      %dma_wait3A_102 = arith.constant 0 : i32
      %dma_wait3A_103 = arith.constant 0 : i32
      %dma_wait3A_104 = tpu.memref_slice %arg3[%dma_wait3A_102, %dma_wait3A_103] : memref<100000x128xf32, #tpu.memory_space<hbm>> -> memref<128x128xf32, #tpu.memory_space<hbm>>
      tpu.wait_dma2 semaphore(%arg7 : memref<!tpu.dma_semaphore, #tpu.memory_space<semaphore_mem>>) src(%dma_wait3A_104 : memref<128x128xf32, #tpu.memory_space<hbm>>) dst(%dma_wait3A_101 : memref<128x128xf32, #tpu.memory_space<vmem>>)
      %add3A_105 = arith.constant 0 : i32
      %add3A_106 = arith.addi %multiple_of3A_89, %add3A_105 : i32
      %mul3A_107 = arith.constant 128 : i32
      %mul3A_108 = arith.muli %add3A_106, %mul3A_107 : i32
      %multiple_of3A_109 = tpu.assume_multiple %mul3A_108, 128 : i32
      %add3A_110 = arith.addi %mul3A_2, %multiple_of3A_109 : i32
      %run_scoped3A_111 = arith.constant 0 : i32
      "tpu.region"() ({
        %run_scoped3A_211 = tpu.sem_alloc : memref<!tpu.dma_semaphore, #tpu.memory_space<semaphore_mem>>
        %dma_start3A_212 = arith.constant 0 : i32
        %dma_start3A_213 = arith.constant 0 : i32
        %dma_start3A_214 = tpu.memref_slice %arg6[%run_scoped3A_111, %dma_start3A_212, %dma_start3A_213] : memref<4x128x128xf32, #tpu.memory_space<vmem>> -> memref<1x128x128xf32, #tpu.memory_space<vmem>>
        %dma_start3A_215 = tpu.memref_squeeze %dma_start3A_214 : memref<1x128x128xf32, #tpu.memory_space<vmem>> -> memref<128x128xf32, #tpu.memory_space<vmem>>
        %dma_start3A_216 = arith.constant 0 : i32
        %dma_start3A_217 = tpu.memref_slice %arg4[%add3A_110, %dma_start3A_216] : memref<106496x128xf32, #tpu.memory_space<hbm>> -> memref<128x128xf32, #tpu.memory_space<hbm>>
        %dma_start3A_218 = arith.constant 0 : i32
        %dma_start3A_219 = tpu.memref_slice %arg4[%add3A_110, %dma_start3A_218] : memref<106496x128xf32, #tpu.memory_space<hbm>> -> memref<128x128xf32, #tpu.memory_space<hbm>>
        %dma_start3A_220 = arith.constant 0 : i32
        %dma_start3A_221 = arith.constant 0 : i32
        %dma_start3A_222 = tpu.memref_slice %arg6[%run_scoped3A_111, %dma_start3A_220, %dma_start3A_221] : memref<4x128x128xf32, #tpu.memory_space<vmem>> -> memref<1x128x128xf32, #tpu.memory_space<vmem>>
        %dma_start3A_223 = tpu.memref_squeeze %dma_start3A_222 : memref<1x128x128xf32, #tpu.memory_space<vmem>> -> memref<128x128xf32, #tpu.memory_space<vmem>>
        tpu.enqueue_dma source(%dma_start3A_223 : memref<128x128xf32, #tpu.memory_space<vmem>>) target(%dma_start3A_219 : memref<128x128xf32, #tpu.memory_space<hbm>>) target_semaphore(%run_scoped3A_211 : memref<!tpu.dma_semaphore, #tpu.memory_space<semaphore_mem>>)
        %dma_wait3A_224 = arith.constant 0 : i32
        %dma_wait3A_225 = arith.constant 0 : i32
        %dma_wait3A_226 = tpu.memref_slice %arg6[%run_scoped3A_111, %dma_wait3A_224, %dma_wait3A_225] : memref<4x128x128xf32, #tpu.memory_space<vmem>> -> memref<1x128x128xf32, #tpu.memory_space<vmem>>
        %dma_wait3A_227 = tpu.memref_squeeze %dma_wait3A_226 : memref<1x128x128xf32, #tpu.memory_space<vmem>> -> memref<128x128xf32, #tpu.memory_space<vmem>>
        %dma_wait3A_228 = arith.constant 0 : i32
        %dma_wait3A_229 = tpu.memref_slice %arg4[%add3A_110, %dma_wait3A_228] : memref<106496x128xf32, #tpu.memory_space<hbm>> -> memref<128x128xf32, #tpu.memory_space<hbm>>
        %dma_wait3A_230 = arith.constant 0 : i32
        %dma_wait3A_231 = tpu.memref_slice %arg4[%add3A_110, %dma_wait3A_230] : memref<106496x128xf32, #tpu.memory_space<hbm>> -> memref<128x128xf32, #tpu.memory_space<hbm>>
        %dma_wait3A_232 = arith.constant 0 : i32
        %dma_wait3A_233 = arith.constant 0 : i32
        %dma_wait3A_234 = tpu.memref_slice %arg6[%run_scoped3A_111, %dma_wait3A_232, %dma_wait3A_233] : memref<4x128x128xf32, #tpu.memory_space<vmem>> -> memref<1x128x128xf32, #tpu.memory_space<vmem>>
        %dma_wait3A_235 = tpu.memref_squeeze %dma_wait3A_234 : memref<1x128x128xf32, #tpu.memory_space<vmem>> -> memref<128x128xf32, #tpu.memory_space<vmem>>
        tpu.wait_dma2 semaphore(%run_scoped3A_211 : memref<!tpu.dma_semaphore, #tpu.memory_space<semaphore_mem>>) src(%dma_wait3A_235 : memref<128x128xf32, #tpu.memory_space<vmem>>) dst(%dma_wait3A_231 : memref<128x128xf32, #tpu.memory_space<hbm>>)
        tpu.yield
      }) : () -> ()
      %add3A_112 = arith.constant 0 : i32
      %add3A_113 = arith.addi %multiple_of3A_89, %add3A_112 : i32
      %add3A_114 = arith.constant 4 : i32
      %add3A_115 = arith.addi %add3A_113, %add3A_114 : i32
      %lt3A = arith.constant 26 : i32
      %lt3A_116 = arith.cmpi slt, %add3A_115, %lt3A : i32
      %convert_element_type3A = arith.extui %lt3A_116 : i1 to i32
      %cond3A = arith.constant 0 : i32
      %cond3A_117 = arith.cmpi ne, %convert_element_type3A, %cond3A : i32
      scf.if %cond3A_117 {
        %add3A_211 = arith.constant 0 : i32
        %add3A_212 = arith.addi %multiple_of3A_89, %add3A_211 : i32
        %add3A_213 = arith.constant 4 : i32
        %add3A_214 = arith.addi %add3A_212, %add3A_213 : i32
        %mul3A_215 = arith.constant 128 : i32
        %mul3A_216 = arith.muli %add3A_214, %mul3A_215 : i32
        %multiple_of3A_217 = tpu.assume_multiple %mul3A_216, 128 : i32
        %dma_start3A_218 = arith.constant 0 : i32
        %dma_start3A_219 = arith.constant 0 : i32
        %dma_start3A_220 = arith.constant 0 : i32
        %dma_start3A_221 = tpu.memref_slice %arg6[%dma_start3A_218, %dma_start3A_219, %dma_start3A_220] : memref<4x128x128xf32, #tpu.memory_space<vmem>> -> memref<1x128x128xf32, #tpu.memory_space<vmem>>
        %dma_start3A_222 = tpu.memref_squeeze %dma_start3A_221 : memref<1x128x128xf32, #tpu.memory_space<vmem>> -> memref<128x128xf32, #tpu.memory_space<vmem>>
        %dma_start3A_223 = tpu.memref_slice %arg5[%multiple_of3A_217] : memref<3328xi32, #tpu.memory_space<vmem>> -> memref<128xi32, #tpu.memory_space<vmem>>
        %dma_start3A_224 = arith.constant 0 : i32
        %dma_start3A_225 = arith.constant 0 : i32
        %dma_start3A_226 = tpu.memref_slice %arg3[%dma_start3A_224, %dma_start3A_225] : memref<100000x128xf32, #tpu.memory_space<hbm>> -> memref<100000x128xf32, #tpu.memory_space<hbm>>
        tpu.enqueue_indirect_dma source(%dma_start3A_226 : memref<100000x128xf32, #tpu.memory_space<hbm>>) target(%dma_start3A_222 : memref<128x128xf32, #tpu.memory_space<vmem>>) offsets(%dma_start3A_223 : memref<128xi32, #tpu.memory_space<vmem>>) semaphore(%arg7 : memref<!tpu.dma_semaphore, #tpu.memory_space<semaphore_mem>>)
      } else {
      }
      %dma_wait3A_118 = arith.constant 1 : i32
      %dma_wait3A_119 = arith.constant 0 : i32
      %dma_wait3A_120 = arith.constant 0 : i32
      %dma_wait3A_121 = tpu.memref_slice %arg6[%dma_wait3A_118, %dma_wait3A_119, %dma_wait3A_120] : memref<4x128x128xf32, #tpu.memory_space<vmem>> -> memref<1x128x128xf32, #tpu.memory_space<vmem>>
      %dma_wait3A_122 = tpu.memref_squeeze %dma_wait3A_121 : memref<1x128x128xf32, #tpu.memory_space<vmem>> -> memref<128x128xf32, #tpu.memory_space<vmem>>
      %dma_wait3A_123 = arith.constant 0 : i32
      %dma_wait3A_124 = arith.constant 0 : i32
      %dma_wait3A_125 = tpu.memref_slice %arg3[%dma_wait3A_123, %dma_wait3A_124] : memref<100000x128xf32, #tpu.memory_space<hbm>> -> memref<128x128xf32, #tpu.memory_space<hbm>>
      %dma_wait3A_126 = arith.constant 0 : i32
      %dma_wait3A_127 = arith.constant 0 : i32
      %dma_wait3A_128 = tpu.memref_slice %arg6[%dma_wait3A_118, %dma_wait3A_126, %dma_wait3A_127] : memref<4x128x128xf32, #tpu.memory_space<vmem>> -> memref<1x128x128xf32, #tpu.memory_space<vmem>>
      %dma_wait3A_129 = tpu.memref_squeeze %dma_wait3A_128 : memref<1x128x128xf32, #tpu.memory_space<vmem>> -> memref<128x128xf32, #tpu.memory_space<vmem>>
      %dma_wait3A_130 = arith.constant 0 : i32
      %dma_wait3A_131 = arith.constant 0 : i32
      %dma_wait3A_132 = tpu.memref_slice %arg3[%dma_wait3A_130, %dma_wait3A_131] : memref<100000x128xf32, #tpu.memory_space<hbm>> -> memref<128x128xf32, #tpu.memory_space<hbm>>
      tpu.wait_dma2 semaphore(%arg8 : memref<!tpu.dma_semaphore, #tpu.memory_space<semaphore_mem>>) src(%dma_wait3A_132 : memref<128x128xf32, #tpu.memory_space<hbm>>) dst(%dma_wait3A_129 : memref<128x128xf32, #tpu.memory_space<vmem>>)
      %add3A_133 = arith.constant 1 : i32
      %add3A_134 = arith.addi %multiple_of3A_89, %add3A_133 : i32
      %mul3A_135 = arith.constant 128 : i32
      %mul3A_136 = arith.muli %add3A_134, %mul3A_135 : i32
      %multiple_of3A_137 = tpu.assume_multiple %mul3A_136, 128 : i32
      %add3A_138 = arith.addi %mul3A_2, %multiple_of3A_137 : i32
      %run_scoped3A_139 = arith.constant 1 : i32
      "tpu.region"() ({
        %run_scoped3A_211 = tpu.sem_alloc : memref<!tpu.dma_semaphore, #tpu.memory_space<semaphore_mem>>
        %dma_start3A_212 = arith.constant 0 : i32
        %dma_start3A_213 = arith.constant 0 : i32
        %dma_start3A_214 = tpu.memref_slice %arg6[%run_scoped3A_139, %dma_start3A_212, %dma_start3A_213] : memref<4x128x128xf32, #tpu.memory_space<vmem>> -> memref<1x128x128xf32, #tpu.memory_space<vmem>>
        %dma_start3A_215 = tpu.memref_squeeze %dma_start3A_214 : memref<1x128x128xf32, #tpu.memory_space<vmem>> -> memref<128x128xf32, #tpu.memory_space<vmem>>
        %dma_start3A_216 = arith.constant 0 : i32
        %dma_start3A_217 = tpu.memref_slice %arg4[%add3A_138, %dma_start3A_216] : memref<106496x128xf32, #tpu.memory_space<hbm>> -> memref<128x128xf32, #tpu.memory_space<hbm>>
        %dma_start3A_218 = arith.constant 0 : i32
        %dma_start3A_219 = tpu.memref_slice %arg4[%add3A_138, %dma_start3A_218] : memref<106496x128xf32, #tpu.memory_space<hbm>> -> memref<128x128xf32, #tpu.memory_space<hbm>>
        %dma_start3A_220 = arith.constant 0 : i32
        %dma_start3A_221 = arith.constant 0 : i32
        %dma_start3A_222 = tpu.memref_slice %arg6[%run_scoped3A_139, %dma_start3A_220, %dma_start3A_221] : memref<4x128x128xf32, #tpu.memory_space<vmem>> -> memref<1x128x128xf32, #tpu.memory_space<vmem>>
        %dma_start3A_223 = tpu.memref_squeeze %dma_start3A_222 : memref<1x128x128xf32, #tpu.memory_space<vmem>> -> memref<128x128xf32, #tpu.memory_space<vmem>>
        tpu.enqueue_dma source(%dma_start3A_223 : memref<128x128xf32, #tpu.memory_space<vmem>>) target(%dma_start3A_219 : memref<128x128xf32, #tpu.memory_space<hbm>>) target_semaphore(%run_scoped3A_211 : memref<!tpu.dma_semaphore, #tpu.memory_space<semaphore_mem>>)
        %dma_wait3A_224 = arith.constant 0 : i32
        %dma_wait3A_225 = arith.constant 0 : i32
        %dma_wait3A_226 = tpu.memref_slice %arg6[%run_scoped3A_139, %dma_wait3A_224, %dma_wait3A_225] : memref<4x128x128xf32, #tpu.memory_space<vmem>> -> memref<1x128x128xf32, #tpu.memory_space<vmem>>
        %dma_wait3A_227 = tpu.memref_squeeze %dma_wait3A_226 : memref<1x128x128xf32, #tpu.memory_space<vmem>> -> memref<128x128xf32, #tpu.memory_space<vmem>>
        %dma_wait3A_228 = arith.constant 0 : i32
        %dma_wait3A_229 = tpu.memref_slice %arg4[%add3A_138, %dma_wait3A_228] : memref<106496x128xf32, #tpu.memory_space<hbm>> -> memref<128x128xf32, #tpu.memory_space<hbm>>
        %dma_wait3A_230 = arith.constant 0 : i32
        %dma_wait3A_231 = tpu.memref_slice %arg4[%add3A_138, %dma_wait3A_230] : memref<106496x128xf32, #tpu.memory_space<hbm>> -> memref<128x128xf32, #tpu.memory_space<hbm>>
        %dma_wait3A_232 = arith.constant 0 : i32
        %dma_wait3A_233 = arith.constant 0 : i32
        %dma_wait3A_234 = tpu.memref_slice %arg6[%run_scoped3A_139, %dma_wait3A_232, %dma_wait3A_233] : memref<4x128x128xf32, #tpu.memory_space<vmem>> -> memref<1x128x128xf32, #tpu.memory_space<vmem>>
        %dma_wait3A_235 = tpu.memref_squeeze %dma_wait3A_234 : memref<1x128x128xf32, #tpu.memory_space<vmem>> -> memref<128x128xf32, #tpu.memory_space<vmem>>
        tpu.wait_dma2 semaphore(%run_scoped3A_211 : memref<!tpu.dma_semaphore, #tpu.memory_space<semaphore_mem>>) src(%dma_wait3A_235 : memref<128x128xf32, #tpu.memory_space<vmem>>) dst(%dma_wait3A_231 : memref<128x128xf32, #tpu.memory_space<hbm>>)
        tpu.yield
      }) : () -> ()
      %add3A_140 = arith.constant 1 : i32
      %add3A_141 = arith.addi %multiple_of3A_89, %add3A_140 : i32
      %add3A_142 = arith.constant 4 : i32
      %add3A_143 = arith.addi %add3A_141, %add3A_142 : i32
      %lt3A_144 = arith.constant 26 : i32
      %lt3A_145 = arith.cmpi slt, %add3A_143, %lt3A_144 : i32
      %convert_element_type3A_146 = arith.extui %lt3A_145 : i1 to i32
      %cond3A_147 = arith.constant 0 : i32
      %cond3A_148 = arith.cmpi ne, %convert_element_type3A_146, %cond3A_147 : i32
      scf.if %cond3A_148 {
        %add3A_211 = arith.constant 1 : i32
        %add3A_212 = arith.addi %multiple_of3A_89, %add3A_211 : i32
        %add3A_213 = arith.constant 4 : i32
        %add3A_214 = arith.addi %add3A_212, %add3A_213 : i32
        %mul3A_215 = arith.constant 128 : i32
        %mul3A_216 = arith.muli %add3A_214, %mul3A_215 : i32
        %multiple_of3A_217 = tpu.assume_multiple %mul3A_216, 128 : i32
        %dma_start3A_218 = arith.constant 1 : i32
        %dma_start3A_219 = arith.constant 0 : i32
        %dma_start3A_220 = arith.constant 0 : i32
        %dma_start3A_221 = tpu.memref_slice %arg6[%dma_start3A_218, %dma_start3A_219, %dma_start3A_220] : memref<4x128x128xf32, #tpu.memory_space<vmem>> -> memref<1x128x128xf32, #tpu.memory_space<vmem>>
        %dma_start3A_222 = tpu.memref_squeeze %dma_start3A_221 : memref<1x128x128xf32, #tpu.memory_space<vmem>> -> memref<128x128xf32, #tpu.memory_space<vmem>>
        %dma_start3A_223 = tpu.memref_slice %arg5[%multiple_of3A_217] : memref<3328xi32, #tpu.memory_space<vmem>> -> memref<128xi32, #tpu.memory_space<vmem>>
        %dma_start3A_224 = arith.constant 0 : i32
        %dma_start3A_225 = arith.constant 0 : i32
        %dma_start3A_226 = tpu.memref_slice %arg3[%dma_start3A_224, %dma_start3A_225] : memref<100000x128xf32, #tpu.memory_space<hbm>> -> memref<100000x128xf32, #tpu.memory_space<hbm>>
        tpu.enqueue_indirect_dma source(%dma_start3A_226 : memref<100000x128xf32, #tpu.memory_space<hbm>>) target(%dma_start3A_222 : memref<128x128xf32, #tpu.memory_space<vmem>>) offsets(%dma_start3A_223 : memref<128xi32, #tpu.memory_space<vmem>>) semaphore(%arg8 : memref<!tpu.dma_semaphore, #tpu.memory_space<semaphore_mem>>)
      } else {
      }
      %dma_wait3A_149 = arith.constant 2 : i32
      %dma_wait3A_150 = arith.constant 0 : i32
      %dma_wait3A_151 = arith.constant 0 : i32
      %dma_wait3A_152 = tpu.memref_slice %arg6[%dma_wait3A_149, %dma_wait3A_150, %dma_wait3A_151] : memref<4x128x128xf32, #tpu.memory_space<vmem>> -> memref<1x128x128xf32, #tpu.memory_space<vmem>>
      %dma_wait3A_153 = tpu.memref_squeeze %dma_wait3A_152 : memref<1x128x128xf32, #tpu.memory_space<vmem>> -> memref<128x128xf32, #tpu.memory_space<vmem>>
      %dma_wait3A_154 = arith.constant 0 : i32
      %dma_wait3A_155 = arith.constant 0 : i32
      %dma_wait3A_156 = tpu.memref_slice %arg3[%dma_wait3A_154, %dma_wait3A_155] : memref<100000x128xf32, #tpu.memory_space<hbm>> -> memref<128x128xf32, #tpu.memory_space<hbm>>
      %dma_wait3A_157 = arith.constant 0 : i32
      %dma_wait3A_158 = arith.constant 0 : i32
      %dma_wait3A_159 = tpu.memref_slice %arg6[%dma_wait3A_149, %dma_wait3A_157, %dma_wait3A_158] : memref<4x128x128xf32, #tpu.memory_space<vmem>> -> memref<1x128x128xf32, #tpu.memory_space<vmem>>
      %dma_wait3A_160 = tpu.memref_squeeze %dma_wait3A_159 : memref<1x128x128xf32, #tpu.memory_space<vmem>> -> memref<128x128xf32, #tpu.memory_space<vmem>>
      %dma_wait3A_161 = arith.constant 0 : i32
      %dma_wait3A_162 = arith.constant 0 : i32
      %dma_wait3A_163 = tpu.memref_slice %arg3[%dma_wait3A_161, %dma_wait3A_162] : memref<100000x128xf32, #tpu.memory_space<hbm>> -> memref<128x128xf32, #tpu.memory_space<hbm>>
      tpu.wait_dma2 semaphore(%arg9 : memref<!tpu.dma_semaphore, #tpu.memory_space<semaphore_mem>>) src(%dma_wait3A_163 : memref<128x128xf32, #tpu.memory_space<hbm>>) dst(%dma_wait3A_160 : memref<128x128xf32, #tpu.memory_space<vmem>>)
      %add3A_164 = arith.constant 2 : i32
      %add3A_165 = arith.addi %multiple_of3A_89, %add3A_164 : i32
      %mul3A_166 = arith.constant 128 : i32
      %mul3A_167 = arith.muli %add3A_165, %mul3A_166 : i32
      %multiple_of3A_168 = tpu.assume_multiple %mul3A_167, 128 : i32
      %add3A_169 = arith.addi %mul3A_2, %multiple_of3A_168 : i32
      %run_scoped3A_170 = arith.constant 2 : i32
      "tpu.region"() ({
        %run_scoped3A_211 = tpu.sem_alloc : memref<!tpu.dma_semaphore, #tpu.memory_space<semaphore_mem>>
        %dma_start3A_212 = arith.constant 0 : i32
        %dma_start3A_213 = arith.constant 0 : i32
        %dma_start3A_214 = tpu.memref_slice %arg6[%run_scoped3A_170, %dma_start3A_212, %dma_start3A_213] : memref<4x128x128xf32, #tpu.memory_space<vmem>> -> memref<1x128x128xf32, #tpu.memory_space<vmem>>
        %dma_start3A_215 = tpu.memref_squeeze %dma_start3A_214 : memref<1x128x128xf32, #tpu.memory_space<vmem>> -> memref<128x128xf32, #tpu.memory_space<vmem>>
        %dma_start3A_216 = arith.constant 0 : i32
        %dma_start3A_217 = tpu.memref_slice %arg4[%add3A_169, %dma_start3A_216] : memref<106496x128xf32, #tpu.memory_space<hbm>> -> memref<128x128xf32, #tpu.memory_space<hbm>>
        %dma_start3A_218 = arith.constant 0 : i32
        %dma_start3A_219 = tpu.memref_slice %arg4[%add3A_169, %dma_start3A_218] : memref<106496x128xf32, #tpu.memory_space<hbm>> -> memref<128x128xf32, #tpu.memory_space<hbm>>
        %dma_start3A_220 = arith.constant 0 : i32
        %dma_start3A_221 = arith.constant 0 : i32
        %dma_start3A_222 = tpu.memref_slice %arg6[%run_scoped3A_170, %dma_start3A_220, %dma_start3A_221] : memref<4x128x128xf32, #tpu.memory_space<vmem>> -> memref<1x128x128xf32, #tpu.memory_space<vmem>>
        %dma_start3A_223 = tpu.memref_squeeze %dma_start3A_222 : memref<1x128x128xf32, #tpu.memory_space<vmem>> -> memref<128x128xf32, #tpu.memory_space<vmem>>
        tpu.enqueue_dma source(%dma_start3A_223 : memref<128x128xf32, #tpu.memory_space<vmem>>) target(%dma_start3A_219 : memref<128x128xf32, #tpu.memory_space<hbm>>) target_semaphore(%run_scoped3A_211 : memref<!tpu.dma_semaphore, #tpu.memory_space<semaphore_mem>>)
        %dma_wait3A_224 = arith.constant 0 : i32
        %dma_wait3A_225 = arith.constant 0 : i32
        %dma_wait3A_226 = tpu.memref_slice %arg6[%run_scoped3A_170, %dma_wait3A_224, %dma_wait3A_225] : memref<4x128x128xf32, #tpu.memory_space<vmem>> -> memref<1x128x128xf32, #tpu.memory_space<vmem>>
        %dma_wait3A_227 = tpu.memref_squeeze %dma_wait3A_226 : memref<1x128x128xf32, #tpu.memory_space<vmem>> -> memref<128x128xf32, #tpu.memory_space<vmem>>
        %dma_wait3A_228 = arith.constant 0 : i32
        %dma_wait3A_229 = tpu.memref_slice %arg4[%add3A_169, %dma_wait3A_228] : memref<106496x128xf32, #tpu.memory_space<hbm>> -> memref<128x128xf32, #tpu.memory_space<hbm>>
        %dma_wait3A_230 = arith.constant 0 : i32
        %dma_wait3A_231 = tpu.memref_slice %arg4[%add3A_169, %dma_wait3A_230] : memref<106496x128xf32, #tpu.memory_space<hbm>> -> memref<128x128xf32, #tpu.memory_space<hbm>>
        %dma_wait3A_232 = arith.constant 0 : i32
        %dma_wait3A_233 = arith.constant 0 : i32
        %dma_wait3A_234 = tpu.memref_slice %arg6[%run_scoped3A_170, %dma_wait3A_232, %dma_wait3A_233] : memref<4x128x128xf32, #tpu.memory_space<vmem>> -> memref<1x128x128xf32, #tpu.memory_space<vmem>>
        %dma_wait3A_235 = tpu.memref_squeeze %dma_wait3A_234 : memref<1x128x128xf32, #tpu.memory_space<vmem>> -> memref<128x128xf32, #tpu.memory_space<vmem>>
        tpu.wait_dma2 semaphore(%run_scoped3A_211 : memref<!tpu.dma_semaphore, #tpu.memory_space<semaphore_mem>>) src(%dma_wait3A_235 : memref<128x128xf32, #tpu.memory_space<vmem>>) dst(%dma_wait3A_231 : memref<128x128xf32, #tpu.memory_space<hbm>>)
        tpu.yield
      }) : () -> ()
      %add3A_171 = arith.constant 2 : i32
      %add3A_172 = arith.addi %multiple_of3A_89, %add3A_171 : i32
      %add3A_173 = arith.constant 4 : i32
      %add3A_174 = arith.addi %add3A_172, %add3A_173 : i32
      %lt3A_175 = arith.constant 26 : i32
      %lt3A_176 = arith.cmpi slt, %add3A_174, %lt3A_175 : i32
      %convert_element_type3A_177 = arith.extui %lt3A_176 : i1 to i32
      %cond3A_178 = arith.constant 0 : i32
      %cond3A_179 = arith.cmpi ne, %convert_element_type3A_177, %cond3A_178 : i32
      scf.if %cond3A_179 {
        %add3A_211 = arith.constant 2 : i32
        %add3A_212 = arith.addi %multiple_of3A_89, %add3A_211 : i32
        %add3A_213 = arith.constant 4 : i32
        %add3A_214 = arith.addi %add3A_212, %add3A_213 : i32
        %mul3A_215 = arith.constant 128 : i32
        %mul3A_216 = arith.muli %add3A_214, %mul3A_215 : i32
        %multiple_of3A_217 = tpu.assume_multiple %mul3A_216, 128 : i32
        %dma_start3A_218 = arith.constant 2 : i32
        %dma_start3A_219 = arith.constant 0 : i32
        %dma_start3A_220 = arith.constant 0 : i32
        %dma_start3A_221 = tpu.memref_slice %arg6[%dma_start3A_218, %dma_start3A_219, %dma_start3A_220] : memref<4x128x128xf32, #tpu.memory_space<vmem>> -> memref<1x128x128xf32, #tpu.memory_space<vmem>>
        %dma_start3A_222 = tpu.memref_squeeze %dma_start3A_221 : memref<1x128x128xf32, #tpu.memory_space<vmem>> -> memref<128x128xf32, #tpu.memory_space<vmem>>
        %dma_start3A_223 = tpu.memref_slice %arg5[%multiple_of3A_217] : memref<3328xi32, #tpu.memory_space<vmem>> -> memref<128xi32, #tpu.memory_space<vmem>>
        %dma_start3A_224 = arith.constant 0 : i32
        %dma_start3A_225 = arith.constant 0 : i32
        %dma_start3A_226 = tpu.memref_slice %arg3[%dma_start3A_224, %dma_start3A_225] : memref<100000x128xf32, #tpu.memory_space<hbm>> -> memref<100000x128xf32, #tpu.memory_space<hbm>>
        tpu.enqueue_indirect_dma source(%dma_start3A_226 : memref<100000x128xf32, #tpu.memory_space<hbm>>) target(%dma_start3A_222 : memref<128x128xf32, #tpu.memory_space<vmem>>) offsets(%dma_start3A_223 : memref<128xi32, #tpu.memory_space<vmem>>) semaphore(%arg9 : memref<!tpu.dma_semaphore, #tpu.memory_space<semaphore_mem>>)
      } else {
      }
      %dma_wait3A_180 = arith.constant 3 : i32
      %dma_wait3A_181 = arith.constant 0 : i32
      %dma_wait3A_182 = arith.constant 0 : i32
      %dma_wait3A_183 = tpu.memref_slice %arg6[%dma_wait3A_180, %dma_wait3A_181, %dma_wait3A_182] : memref<4x128x128xf32, #tpu.memory_space<vmem>> -> memref<1x128x128xf32, #tpu.memory_space<vmem>>
      %dma_wait3A_184 = tpu.memref_squeeze %dma_wait3A_183 : memref<1x128x128xf32, #tpu.memory_space<vmem>> -> memref<128x128xf32, #tpu.memory_space<vmem>>
      %dma_wait3A_185 = arith.constant 0 : i32
      %dma_wait3A_186 = arith.constant 0 : i32
      %dma_wait3A_187 = tpu.memref_slice %arg3[%dma_wait3A_185, %dma_wait3A_186] : memref<100000x128xf32, #tpu.memory_space<hbm>> -> memref<128x128xf32, #tpu.memory_space<hbm>>
      %dma_wait3A_188 = arith.constant 0 : i32
      %dma_wait3A_189 = arith.constant 0 : i32
      %dma_wait3A_190 = tpu.memref_slice %arg6[%dma_wait3A_180, %dma_wait3A_188, %dma_wait3A_189] : memref<4x128x128xf32, #tpu.memory_space<vmem>> -> memref<1x128x128xf32, #tpu.memory_space<vmem>>
      %dma_wait3A_191 = tpu.memref_squeeze %dma_wait3A_190 : memref<1x128x128xf32, #tpu.memory_space<vmem>> -> memref<128x128xf32, #tpu.memory_space<vmem>>
      %dma_wait3A_192 = arith.constant 0 : i32
      %dma_wait3A_193 = arith.constant 0 : i32
      %dma_wait3A_194 = tpu.memref_slice %arg3[%dma_wait3A_192, %dma_wait3A_193] : memref<100000x128xf32, #tpu.memory_space<hbm>> -> memref<128x128xf32, #tpu.memory_space<hbm>>
      tpu.wait_dma2 semaphore(%arg10 : memref<!tpu.dma_semaphore, #tpu.memory_space<semaphore_mem>>) src(%dma_wait3A_194 : memref<128x128xf32, #tpu.memory_space<hbm>>) dst(%dma_wait3A_191 : memref<128x128xf32, #tpu.memory_space<vmem>>)
      %add3A_195 = arith.constant 3 : i32
      %add3A_196 = arith.addi %multiple_of3A_89, %add3A_195 : i32
      %mul3A_197 = arith.constant 128 : i32
      %mul3A_198 = arith.muli %add3A_196, %mul3A_197 : i32
      %multiple_of3A_199 = tpu.assume_multiple %mul3A_198, 128 : i32
      %add3A_200 = arith.addi %mul3A_2, %multiple_of3A_199 : i32
      %run_scoped3A_201 = arith.constant 3 : i32
      "tpu.region"() ({
        %run_scoped3A_211 = tpu.sem_alloc : memref<!tpu.dma_semaphore, #tpu.memory_space<semaphore_mem>>
        %dma_start3A_212 = arith.constant 0 : i32
        %dma_start3A_213 = arith.constant 0 : i32
        %dma_start3A_214 = tpu.memref_slice %arg6[%run_scoped3A_201, %dma_start3A_212, %dma_start3A_213] : memref<4x128x128xf32, #tpu.memory_space<vmem>> -> memref<1x128x128xf32, #tpu.memory_space<vmem>>
        %dma_start3A_215 = tpu.memref_squeeze %dma_start3A_214 : memref<1x128x128xf32, #tpu.memory_space<vmem>> -> memref<128x128xf32, #tpu.memory_space<vmem>>
        %dma_start3A_216 = arith.constant 0 : i32
        %dma_start3A_217 = tpu.memref_slice %arg4[%add3A_200, %dma_start3A_216] : memref<106496x128xf32, #tpu.memory_space<hbm>> -> memref<128x128xf32, #tpu.memory_space<hbm>>
        %dma_start3A_218 = arith.constant 0 : i32
        %dma_start3A_219 = tpu.memref_slice %arg4[%add3A_200, %dma_start3A_218] : memref<106496x128xf32, #tpu.memory_space<hbm>> -> memref<128x128xf32, #tpu.memory_space<hbm>>
        %dma_start3A_220 = arith.constant 0 : i32
        %dma_start3A_221 = arith.constant 0 : i32
        %dma_start3A_222 = tpu.memref_slice %arg6[%run_scoped3A_201, %dma_start3A_220, %dma_start3A_221] : memref<4x128x128xf32, #tpu.memory_space<vmem>> -> memref<1x128x128xf32, #tpu.memory_space<vmem>>
        %dma_start3A_223 = tpu.memref_squeeze %dma_start3A_222 : memref<1x128x128xf32, #tpu.memory_space<vmem>> -> memref<128x128xf32, #tpu.memory_space<vmem>>
        tpu.enqueue_dma source(%dma_start3A_223 : memref<128x128xf32, #tpu.memory_space<vmem>>) target(%dma_start3A_219 : memref<128x128xf32, #tpu.memory_space<hbm>>) target_semaphore(%run_scoped3A_211 : memref<!tpu.dma_semaphore, #tpu.memory_space<semaphore_mem>>)
        %dma_wait3A_224 = arith.constant 0 : i32
        %dma_wait3A_225 = arith.constant 0 : i32
        %dma_wait3A_226 = tpu.memref_slice %arg6[%run_scoped3A_201, %dma_wait3A_224, %dma_wait3A_225] : memref<4x128x128xf32, #tpu.memory_space<vmem>> -> memref<1x128x128xf32, #tpu.memory_space<vmem>>
        %dma_wait3A_227 = tpu.memref_squeeze %dma_wait3A_226 : memref<1x128x128xf32, #tpu.memory_space<vmem>> -> memref<128x128xf32, #tpu.memory_space<vmem>>
        %dma_wait3A_228 = arith.constant 0 : i32
        %dma_wait3A_229 = tpu.memref_slice %arg4[%add3A_200, %dma_wait3A_228] : memref<106496x128xf32, #tpu.memory_space<hbm>> -> memref<128x128xf32, #tpu.memory_space<hbm>>
        %dma_wait3A_230 = arith.constant 0 : i32
        %dma_wait3A_231 = tpu.memref_slice %arg4[%add3A_200, %dma_wait3A_230] : memref<106496x128xf32, #tpu.memory_space<hbm>> -> memref<128x128xf32, #tpu.memory_space<hbm>>
        %dma_wait3A_232 = arith.constant 0 : i32
        %dma_wait3A_233 = arith.constant 0 : i32
        %dma_wait3A_234 = tpu.memref_slice %arg6[%run_scoped3A_201, %dma_wait3A_232, %dma_wait3A_233] : memref<4x128x128xf32, #tpu.memory_space<vmem>> -> memref<1x128x128xf32, #tpu.memory_space<vmem>>
        %dma_wait3A_235 = tpu.memref_squeeze %dma_wait3A_234 : memref<1x128x128xf32, #tpu.memory_space<vmem>> -> memref<128x128xf32, #tpu.memory_space<vmem>>
        tpu.wait_dma2 semaphore(%run_scoped3A_211 : memref<!tpu.dma_semaphore, #tpu.memory_space<semaphore_mem>>) src(%dma_wait3A_235 : memref<128x128xf32, #tpu.memory_space<vmem>>) dst(%dma_wait3A_231 : memref<128x128xf32, #tpu.memory_space<hbm>>)
        tpu.yield
      }) : () -> ()
      %add3A_202 = arith.constant 3 : i32
      %add3A_203 = arith.addi %multiple_of3A_89, %add3A_202 : i32
      %add3A_204 = arith.constant 4 : i32
      %add3A_205 = arith.addi %add3A_203, %add3A_204 : i32
      %lt3A_206 = arith.constant 26 : i32
      %lt3A_207 = arith.cmpi slt, %add3A_205, %lt3A_206 : i32
      %convert_element_type3A_208 = arith.extui %lt3A_207 : i1 to i32
      %cond3A_209 = arith.constant 0 : i32
      %cond3A_210 = arith.cmpi ne, %convert_element_type3A_208, %cond3A_209 : i32
      scf.if %cond3A_210 {
        %add3A_211 = arith.constant 3 : i32
        %add3A_212 = arith.addi %multiple_of3A_89, %add3A_211 : i32
        %add3A_213 = arith.constant 4 : i32
        %add3A_214 = arith.addi %add3A_212, %add3A_213 : i32
        %mul3A_215 = arith.constant 128 : i32
        %mul3A_216 = arith.muli %add3A_214, %mul3A_215 : i32
        %multiple_of3A_217 = tpu.assume_multiple %mul3A_216, 128 : i32
        %dma_start3A_218 = arith.constant 3 : i32
        %dma_start3A_219 = arith.constant 0 : i32
        %dma_start3A_220 = arith.constant 0 : i32
        %dma_start3A_221 = tpu.memref_slice %arg6[%dma_start3A_218, %dma_start3A_219, %dma_start3A_220] : memref<4x128x128xf32, #tpu.memory_space<vmem>> -> memref<1x128x128xf32, #tpu.memory_space<vmem>>
        %dma_start3A_222 = tpu.memref_squeeze %dma_start3A_221 : memref<1x128x128xf32, #tpu.memory_space<vmem>> -> memref<128x128xf32, #tpu.memory_space<vmem>>
        %dma_start3A_223 = tpu.memref_slice %arg5[%multiple_of3A_217] : memref<3328xi32, #tpu.memory_space<vmem>> -> memref<128xi32, #tpu.memory_space<vmem>>
        %dma_start3A_224 = arith.constant 0 : i32
        %dma_start3A_225 = arith.constant 0 : i32
        %dma_start3A_226 = tpu.memref_slice %arg3[%dma_start3A_224, %dma_start3A_225] : memref<100000x128xf32, #tpu.memory_space<hbm>> -> memref<100000x128xf32, #tpu.memory_space<hbm>>
        tpu.enqueue_indirect_dma source(%dma_start3A_226 : memref<100000x128xf32, #tpu.memory_space<hbm>>) target(%dma_start3A_222 : memref<128x128xf32, #tpu.memory_space<vmem>>) offsets(%dma_start3A_223 : memref<128xi32, #tpu.memory_space<vmem>>) semaphore(%arg10 : memref<!tpu.dma_semaphore, #tpu.memory_space<semaphore_mem>>)
      } else {
      }
    }
    %scan3A_49 = arith.constant 6 : i32
    %dma_wait3A = arith.constant 0 : i32
    %dma_wait3A_50 = arith.constant 0 : i32
    %dma_wait3A_51 = arith.constant 0 : i32
    %dma_wait3A_52 = tpu.memref_slice %arg6[%dma_wait3A, %dma_wait3A_50, %dma_wait3A_51] : memref<4x128x128xf32, #tpu.memory_space<vmem>> -> memref<1x128x128xf32, #tpu.memory_space<vmem>>
    %dma_wait3A_53 = tpu.memref_squeeze %dma_wait3A_52 : memref<1x128x128xf32, #tpu.memory_space<vmem>> -> memref<128x128xf32, #tpu.memory_space<vmem>>
    %dma_wait3A_54 = arith.constant 0 : i32
    %dma_wait3A_55 = arith.constant 0 : i32
    %dma_wait3A_56 = tpu.memref_slice %arg3[%dma_wait3A_54, %dma_wait3A_55] : memref<100000x128xf32, #tpu.memory_space<hbm>> -> memref<128x128xf32, #tpu.memory_space<hbm>>
    %dma_wait3A_57 = arith.constant 0 : i32
    %dma_wait3A_58 = arith.constant 0 : i32
    %dma_wait3A_59 = tpu.memref_slice %arg6[%dma_wait3A, %dma_wait3A_57, %dma_wait3A_58] : memref<4x128x128xf32, #tpu.memory_space<vmem>> -> memref<1x128x128xf32, #tpu.memory_space<vmem>>
    %dma_wait3A_60 = tpu.memref_squeeze %dma_wait3A_59 : memref<1x128x128xf32, #tpu.memory_space<vmem>> -> memref<128x128xf32, #tpu.memory_space<vmem>>
    %dma_wait3A_61 = arith.constant 0 : i32
    %dma_wait3A_62 = arith.constant 0 : i32
    %dma_wait3A_63 = tpu.memref_slice %arg3[%dma_wait3A_61, %dma_wait3A_62] : memref<100000x128xf32, #tpu.memory_space<hbm>> -> memref<128x128xf32, #tpu.memory_space<hbm>>
    tpu.wait_dma2 semaphore(%arg7 : memref<!tpu.dma_semaphore, #tpu.memory_space<semaphore_mem>>) src(%dma_wait3A_63 : memref<128x128xf32, #tpu.memory_space<hbm>>) dst(%dma_wait3A_60 : memref<128x128xf32, #tpu.memory_space<vmem>>)
    %multiple_of3A_64 = arith.constant 3072 : i32
    %multiple_of3A_65 = tpu.assume_multiple %multiple_of3A_64, 128 : i32
    %add3A_66 = arith.addi %mul3A_2, %multiple_of3A_65 : i32
    %run_scoped3A = arith.constant 0 : i32
    "tpu.region"() ({
      %run_scoped3A_86 = tpu.sem_alloc : memref<!tpu.dma_semaphore, #tpu.memory_space<semaphore_mem>>
      %dma_start3A_87 = arith.constant 0 : i32
      %dma_start3A_88 = arith.constant 0 : i32
      %dma_start3A_89 = tpu.memref_slice %arg6[%run_scoped3A, %dma_start3A_87, %dma_start3A_88] : memref<4x128x128xf32, #tpu.memory_space<vmem>> -> memref<1x128x128xf32, #tpu.memory_space<vmem>>
      %dma_start3A_90 = tpu.memref_squeeze %dma_start3A_89 : memref<1x128x128xf32, #tpu.memory_space<vmem>> -> memref<128x128xf32, #tpu.memory_space<vmem>>
      %dma_start3A_91 = arith.constant 0 : i32
      %dma_start3A_92 = tpu.memref_slice %arg4[%add3A_66, %dma_start3A_91] : memref<106496x128xf32, #tpu.memory_space<hbm>> -> memref<128x128xf32, #tpu.memory_space<hbm>>
      %dma_start3A_93 = arith.constant 0 : i32
      %dma_start3A_94 = tpu.memref_slice %arg4[%add3A_66, %dma_start3A_93] : memref<106496x128xf32, #tpu.memory_space<hbm>> -> memref<128x128xf32, #tpu.memory_space<hbm>>
      %dma_start3A_95 = arith.constant 0 : i32
      %dma_start3A_96 = arith.constant 0 : i32
      %dma_start3A_97 = tpu.memref_slice %arg6[%run_scoped3A, %dma_start3A_95, %dma_start3A_96] : memref<4x128x128xf32, #tpu.memory_space<vmem>> -> memref<1x128x128xf32, #tpu.memory_space<vmem>>
      %dma_start3A_98 = tpu.memref_squeeze %dma_start3A_97 : memref<1x128x128xf32, #tpu.memory_space<vmem>> -> memref<128x128xf32, #tpu.memory_space<vmem>>
      tpu.enqueue_dma source(%dma_start3A_98 : memref<128x128xf32, #tpu.memory_space<vmem>>) target(%dma_start3A_94 : memref<128x128xf32, #tpu.memory_space<hbm>>) target_semaphore(%run_scoped3A_86 : memref<!tpu.dma_semaphore, #tpu.memory_space<semaphore_mem>>)
      %dma_wait3A_99 = arith.constant 0 : i32
      %dma_wait3A_100 = arith.constant 0 : i32
      %dma_wait3A_101 = tpu.memref_slice %arg6[%run_scoped3A, %dma_wait3A_99, %dma_wait3A_100] : memref<4x128x128xf32, #tpu.memory_space<vmem>> -> memref<1x128x128xf32, #tpu.memory_space<vmem>>
      %dma_wait3A_102 = tpu.memref_squeeze %dma_wait3A_101 : memref<1x128x128xf32, #tpu.memory_space<vmem>> -> memref<128x128xf32, #tpu.memory_space<vmem>>
      %dma_wait3A_103 = arith.constant 0 : i32
      %dma_wait3A_104 = tpu.memref_slice %arg4[%add3A_66, %dma_wait3A_103] : memref<106496x128xf32, #tpu.memory_space<hbm>> -> memref<128x128xf32, #tpu.memory_space<hbm>>
      %dma_wait3A_105 = arith.constant 0 : i32
      %dma_wait3A_106 = tpu.memref_slice %arg4[%add3A_66, %dma_wait3A_105] : memref<106496x128xf32, #tpu.memory_space<hbm>> -> memref<128x128xf32, #tpu.memory_space<hbm>>
      %dma_wait3A_107 = arith.constant 0 : i32
      %dma_wait3A_108 = arith.constant 0 : i32
      %dma_wait3A_109 = tpu.memref_slice %arg6[%run_scoped3A, %dma_wait3A_107, %dma_wait3A_108] : memref<4x128x128xf32, #tpu.memory_space<vmem>> -> memref<1x128x128xf32, #tpu.memory_space<vmem>>
      %dma_wait3A_110 = tpu.memref_squeeze %dma_wait3A_109 : memref<1x128x128xf32, #tpu.memory_space<vmem>> -> memref<128x128xf32, #tpu.memory_space<vmem>>
      tpu.wait_dma2 semaphore(%run_scoped3A_86 : memref<!tpu.dma_semaphore, #tpu.memory_space<semaphore_mem>>) src(%dma_wait3A_110 : memref<128x128xf32, #tpu.memory_space<vmem>>) dst(%dma_wait3A_106 : memref<128x128xf32, #tpu.memory_space<hbm>>)
      tpu.yield
    }) : () -> ()
    %dma_wait3A_67 = arith.constant 1 : i32
    %dma_wait3A_68 = arith.constant 0 : i32
    %dma_wait3A_69 = arith.constant 0 : i32
    %dma_wait3A_70 = tpu.memref_slice %arg6[%dma_wait3A_67, %dma_wait3A_68, %dma_wait3A_69] : memref<4x128x128xf32, #tpu.memory_space<vmem>> -> memref<1x128x128xf32, #tpu.memory_space<vmem>>
    %dma_wait3A_71 = tpu.memref_squeeze %dma_wait3A_70 : memref<1x128x128xf32, #tpu.memory_space<vmem>> -> memref<128x128xf32, #tpu.memory_space<vmem>>
    %dma_wait3A_72 = arith.constant 0 : i32
    %dma_wait3A_73 = arith.constant 0 : i32
    %dma_wait3A_74 = tpu.memref_slice %arg3[%dma_wait3A_72, %dma_wait3A_73] : memref<100000x128xf32, #tpu.memory_space<hbm>> -> memref<128x128xf32, #tpu.memory_space<hbm>>
    %dma_wait3A_75 = arith.constant 0 : i32
    %dma_wait3A_76 = arith.constant 0 : i32
    %dma_wait3A_77 = tpu.memref_slice %arg6[%dma_wait3A_67, %dma_wait3A_75, %dma_wait3A_76] : memref<4x128x128xf32, #tpu.memory_space<vmem>> -> memref<1x128x128xf32, #tpu.memory_space<vmem>>
    %dma_wait3A_78 = tpu.memref_squeeze %dma_wait3A_77 : memref<1x128x128xf32, #tpu.memory_space<vmem>> -> memref<128x128xf32, #tpu.memory_space<vmem>>
    %dma_wait3A_79 = arith.constant 0 : i32
    %dma_wait3A_80 = arith.constant 0 : i32
    %dma_wait3A_81 = tpu.memref_slice %arg3[%dma_wait3A_79, %dma_wait3A_80] : memref<100000x128xf32, #tpu.memory_space<hbm>> -> memref<128x128xf32, #tpu.memory_space<hbm>>
    tpu.wait_dma2 semaphore(%arg8 : memref<!tpu.dma_semaphore, #tpu.memory_space<semaphore_mem>>) src(%dma_wait3A_81 : memref<128x128xf32, #tpu.memory_space<hbm>>) dst(%dma_wait3A_78 : memref<128x128xf32, #tpu.memory_space<vmem>>)
    %multiple_of3A_82 = arith.constant 3200 : i32
    %multiple_of3A_83 = tpu.assume_multiple %multiple_of3A_82, 128 : i32
    %add3A_84 = arith.addi %mul3A_2, %multiple_of3A_83 : i32
    %run_scoped3A_85 = arith.constant 1 : i32
    "tpu.region"() ({
      %run_scoped3A_86 = tpu.sem_alloc : memref<!tpu.dma_semaphore, #tpu.memory_space<semaphore_mem>>
      %dma_start3A_87 = arith.constant 0 : i32
      %dma_start3A_88 = arith.constant 0 : i32
      %dma_start3A_89 = tpu.memref_slice %arg6[%run_scoped3A_85, %dma_start3A_87, %dma_start3A_88] : memref<4x128x128xf32, #tpu.memory_space<vmem>> -> memref<1x128x128xf32, #tpu.memory_space<vmem>>
      %dma_start3A_90 = tpu.memref_squeeze %dma_start3A_89 : memref<1x128x128xf32, #tpu.memory_space<vmem>> -> memref<128x128xf32, #tpu.memory_space<vmem>>
      %dma_start3A_91 = arith.constant 0 : i32
      %dma_start3A_92 = tpu.memref_slice %arg4[%add3A_84, %dma_start3A_91] : memref<106496x128xf32, #tpu.memory_space<hbm>> -> memref<128x128xf32, #tpu.memory_space<hbm>>
      %dma_start3A_93 = arith.constant 0 : i32
      %dma_start3A_94 = tpu.memref_slice %arg4[%add3A_84, %dma_start3A_93] : memref<106496x128xf32, #tpu.memory_space<hbm>> -> memref<128x128xf32, #tpu.memory_space<hbm>>
      %dma_start3A_95 = arith.constant 0 : i32
      %dma_start3A_96 = arith.constant 0 : i32
      %dma_start3A_97 = tpu.memref_slice %arg6[%run_scoped3A_85, %dma_start3A_95, %dma_start3A_96] : memref<4x128x128xf32, #tpu.memory_space<vmem>> -> memref<1x128x128xf32, #tpu.memory_space<vmem>>
      %dma_start3A_98 = tpu.memref_squeeze %dma_start3A_97 : memref<1x128x128xf32, #tpu.memory_space<vmem>> -> memref<128x128xf32, #tpu.memory_space<vmem>>
      tpu.enqueue_dma source(%dma_start3A_98 : memref<128x128xf32, #tpu.memory_space<vmem>>) target(%dma_start3A_94 : memref<128x128xf32, #tpu.memory_space<hbm>>) target_semaphore(%run_scoped3A_86 : memref<!tpu.dma_semaphore, #tpu.memory_space<semaphore_mem>>)
      %dma_wait3A_99 = arith.constant 0 : i32
      %dma_wait3A_100 = arith.constant 0 : i32
      %dma_wait3A_101 = tpu.memref_slice %arg6[%run_scoped3A_85, %dma_wait3A_99, %dma_wait3A_100] : memref<4x128x128xf32, #tpu.memory_space<vmem>> -> memref<1x128x128xf32, #tpu.memory_space<vmem>>
      %dma_wait3A_102 = tpu.memref_squeeze %dma_wait3A_101 : memref<1x128x128xf32, #tpu.memory_space<vmem>> -> memref<128x128xf32, #tpu.memory_space<vmem>>
      %dma_wait3A_103 = arith.constant 0 : i32
      %dma_wait3A_104 = tpu.memref_slice %arg4[%add3A_84, %dma_wait3A_103] : memref<106496x128xf32, #tpu.memory_space<hbm>> -> memref<128x128xf32, #tpu.memory_space<hbm>>
      %dma_wait3A_105 = arith.constant 0 : i32
      %dma_wait3A_106 = tpu.memref_slice %arg4[%add3A_84, %dma_wait3A_105] : memref<106496x128xf32, #tpu.memory_space<hbm>> -> memref<128x128xf32, #tpu.memory_space<hbm>>
      %dma_wait3A_107 = arith.constant 0 : i32
      %dma_wait3A_108 = arith.constant 0 : i32
      %dma_wait3A_109 = tpu.memref_slice %arg6[%run_scoped3A_85, %dma_wait3A_107, %dma_wait3A_108] : memref<4x128x128xf32, #tpu.memory_space<vmem>> -> memref<1x128x128xf32, #tpu.memory_space<vmem>>
      %dma_wait3A_110 = tpu.memref_squeeze %dma_wait3A_109 : memref<1x128x128xf32, #tpu.memory_space<vmem>> -> memref<128x128xf32, #tpu.memory_space<vmem>>
      tpu.wait_dma2 semaphore(%run_scoped3A_86 : memref<!tpu.dma_semaphore, #tpu.memory_space<semaphore_mem>>) src(%dma_wait3A_110 : memref<128x128xf32, #tpu.memory_space<vmem>>) dst(%dma_wait3A_106 : memref<128x128xf32, #tpu.memory_space<hbm>>)
      tpu.yield
    }) : () -> ()
    return
  }
}

#map = affine_map<(d0, d1) -> (0)>
#map1 = affine_map<(d0, d1) -> (0, 0)>
module attributes {stable_mosaic.version = 14 : i64} {
  func.func @gather_kernel(%arg0: i32, %arg1: i32, %arg2: memref<98304xi32, #tpu.memory_space<hbm>>, %arg3: memref<100000x128xf32, #tpu.memory_space<hbm>>, %arg4: memref<98304x128xf32, #tpu.memory_space<hbm>>, %arg5: memref<3072xi32, #tpu.memory_space<vmem>>, %arg6: memref<4x128x128xf32, #tpu.memory_space<vmem>>, %arg7: memref<!tpu.dma_semaphore, #tpu.memory_space<semaphore_mem>>, %arg8: memref<!tpu.dma_semaphore, #tpu.memory_space<semaphore_mem>>, %arg9: memref<!tpu.dma_semaphore, #tpu.memory_space<semaphore_mem>>, %arg10: memref<!tpu.dma_semaphore, #tpu.memory_space<semaphore_mem>>) attributes {dimension_semantics = [#tpu.dimension_semantics<core_parallel>, #tpu.dimension_semantics<subcore_parallel>], iteration_bounds = array<i64: 2, 16>, scalar_prefetch = 0 : i64, scratch_operands = 6 : i64, tpu.core_type = #tpu.core_type<sc_vector_subcore>, window_params = [{transform_indices = #map}, {transform_indices = #map1}, {transform_indices = #map1}]} {
    %mul3A = arith.constant 2 : i32
    %mul3A_0 = arith.muli %arg1, %mul3A : i32
    %add3A = arith.addi %mul3A_0, %arg0 : i32
    %mul3A_1 = arith.constant 3072 : i32
    %mul3A_2 = arith.muli %add3A, %mul3A_1 : i32
    "tpu.region"() ({
      %run_scoped3A = tpu.sem_alloc : memref<!tpu.dma_semaphore, #tpu.memory_space<semaphore_mem>>
      %dma_start3A_50 = tpu.memref_slice %arg2[%mul3A_2] : memref<98304xi32, #tpu.memory_space<hbm>> -> memref<3072xi32, #tpu.memory_space<hbm>>
      %dma_start3A_51 = tpu.memref_slice %arg2[%mul3A_2] : memref<98304xi32, #tpu.memory_space<hbm>> -> memref<3072xi32, #tpu.memory_space<hbm>>
      tpu.enqueue_dma source(%dma_start3A_51 : memref<3072xi32, #tpu.memory_space<hbm>>) target(%arg5 : memref<3072xi32, #tpu.memory_space<vmem>>) target_semaphore(%run_scoped3A : memref<!tpu.dma_semaphore, #tpu.memory_space<semaphore_mem>>)
      %dma_wait3A = tpu.memref_slice %arg2[%mul3A_2] : memref<98304xi32, #tpu.memory_space<hbm>> -> memref<3072xi32, #tpu.memory_space<hbm>>
      %dma_wait3A_52 = tpu.memref_slice %arg2[%mul3A_2] : memref<98304xi32, #tpu.memory_space<hbm>> -> memref<3072xi32, #tpu.memory_space<hbm>>
      tpu.wait_dma2 semaphore(%run_scoped3A : memref<!tpu.dma_semaphore, #tpu.memory_space<semaphore_mem>>) src(%dma_wait3A_52 : memref<3072xi32, #tpu.memory_space<hbm>>) dst(%arg5 : memref<3072xi32, #tpu.memory_space<vmem>>)
      tpu.yield
    }) : () -> ()
    %multiple_of3A = arith.constant 0 : i32
    %multiple_of3A_3 = tpu.assume_multiple %multiple_of3A, 128 : i32
    %dma_start3A = arith.constant 0 : i32
    %dma_start3A_4 = arith.constant 0 : i32
    %dma_start3A_5 = arith.constant 0 : i32
    %dma_start3A_6 = tpu.memref_slice %arg6[%dma_start3A, %dma_start3A_4, %dma_start3A_5] : memref<4x128x128xf32, #tpu.memory_space<vmem>> -> memref<1x128x128xf32, #tpu.memory_space<vmem>>
    %dma_start3A_7 = tpu.memref_squeeze %dma_start3A_6 : memref<1x128x128xf32, #tpu.memory_space<vmem>> -> memref<128x128xf32, #tpu.memory_space<vmem>>
    %dma_start3A_8 = tpu.memref_slice %arg5[%multiple_of3A_3] : memref<3072xi32, #tpu.memory_space<vmem>> -> memref<128xi32, #tpu.memory_space<vmem>>
    %dma_start3A_9 = arith.constant 0 : i32
    %dma_start3A_10 = arith.constant 0 : i32
    %dma_start3A_11 = tpu.memref_slice %arg3[%dma_start3A_9, %dma_start3A_10] : memref<100000x128xf32, #tpu.memory_space<hbm>> -> memref<100000x128xf32, #tpu.memory_space<hbm>>
    tpu.enqueue_indirect_dma source(%dma_start3A_11 : memref<100000x128xf32, #tpu.memory_space<hbm>>) target(%dma_start3A_7 : memref<128x128xf32, #tpu.memory_space<vmem>>) offsets(%dma_start3A_8 : memref<128xi32, #tpu.memory_space<vmem>>) semaphore(%arg7 : memref<!tpu.dma_semaphore, #tpu.memory_space<semaphore_mem>>)
    %multiple_of3A_12 = arith.constant 128 : i32
    %multiple_of3A_13 = tpu.assume_multiple %multiple_of3A_12, 128 : i32
    %dma_start3A_14 = arith.constant 1 : i32
    %dma_start3A_15 = arith.constant 0 : i32
    %dma_start3A_16 = arith.constant 0 : i32
    %dma_start3A_17 = tpu.memref_slice %arg6[%dma_start3A_14, %dma_start3A_15, %dma_start3A_16] : memref<4x128x128xf32, #tpu.memory_space<vmem>> -> memref<1x128x128xf32, #tpu.memory_space<vmem>>
    %dma_start3A_18 = tpu.memref_squeeze %dma_start3A_17 : memref<1x128x128xf32, #tpu.memory_space<vmem>> -> memref<128x128xf32, #tpu.memory_space<vmem>>
    %dma_start3A_19 = tpu.memref_slice %arg5[%multiple_of3A_13] : memref<3072xi32, #tpu.memory_space<vmem>> -> memref<128xi32, #tpu.memory_space<vmem>>
    %dma_start3A_20 = arith.constant 0 : i32
    %dma_start3A_21 = arith.constant 0 : i32
    %dma_start3A_22 = tpu.memref_slice %arg3[%dma_start3A_20, %dma_start3A_21] : memref<100000x128xf32, #tpu.memory_space<hbm>> -> memref<100000x128xf32, #tpu.memory_space<hbm>>
    tpu.enqueue_indirect_dma source(%dma_start3A_22 : memref<100000x128xf32, #tpu.memory_space<hbm>>) target(%dma_start3A_18 : memref<128x128xf32, #tpu.memory_space<vmem>>) offsets(%dma_start3A_19 : memref<128xi32, #tpu.memory_space<vmem>>) semaphore(%arg8 : memref<!tpu.dma_semaphore, #tpu.memory_space<semaphore_mem>>)
    %multiple_of3A_23 = arith.constant 256 : i32
    %multiple_of3A_24 = tpu.assume_multiple %multiple_of3A_23, 128 : i32
    %dma_start3A_25 = arith.constant 2 : i32
    %dma_start3A_26 = arith.constant 0 : i32
    %dma_start3A_27 = arith.constant 0 : i32
    %dma_start3A_28 = tpu.memref_slice %arg6[%dma_start3A_25, %dma_start3A_26, %dma_start3A_27] : memref<4x128x128xf32, #tpu.memory_space<vmem>> -> memref<1x128x128xf32, #tpu.memory_space<vmem>>
    %dma_start3A_29 = tpu.memref_squeeze %dma_start3A_28 : memref<1x128x128xf32, #tpu.memory_space<vmem>> -> memref<128x128xf32, #tpu.memory_space<vmem>>
    %dma_start3A_30 = tpu.memref_slice %arg5[%multiple_of3A_24] : memref<3072xi32, #tpu.memory_space<vmem>> -> memref<128xi32, #tpu.memory_space<vmem>>
    %dma_start3A_31 = arith.constant 0 : i32
    %dma_start3A_32 = arith.constant 0 : i32
    %dma_start3A_33 = tpu.memref_slice %arg3[%dma_start3A_31, %dma_start3A_32] : memref<100000x128xf32, #tpu.memory_space<hbm>> -> memref<100000x128xf32, #tpu.memory_space<hbm>>
    tpu.enqueue_indirect_dma source(%dma_start3A_33 : memref<100000x128xf32, #tpu.memory_space<hbm>>) target(%dma_start3A_29 : memref<128x128xf32, #tpu.memory_space<vmem>>) offsets(%dma_start3A_30 : memref<128xi32, #tpu.memory_space<vmem>>) semaphore(%arg9 : memref<!tpu.dma_semaphore, #tpu.memory_space<semaphore_mem>>)
    %multiple_of3A_34 = arith.constant 384 : i32
    %multiple_of3A_35 = tpu.assume_multiple %multiple_of3A_34, 128 : i32
    %dma_start3A_36 = arith.constant 3 : i32
    %dma_start3A_37 = arith.constant 0 : i32
    %dma_start3A_38 = arith.constant 0 : i32
    %dma_start3A_39 = tpu.memref_slice %arg6[%dma_start3A_36, %dma_start3A_37, %dma_start3A_38] : memref<4x128x128xf32, #tpu.memory_space<vmem>> -> memref<1x128x128xf32, #tpu.memory_space<vmem>>
    %dma_start3A_40 = tpu.memref_squeeze %dma_start3A_39 : memref<1x128x128xf32, #tpu.memory_space<vmem>> -> memref<128x128xf32, #tpu.memory_space<vmem>>
    %dma_start3A_41 = tpu.memref_slice %arg5[%multiple_of3A_35] : memref<3072xi32, #tpu.memory_space<vmem>> -> memref<128xi32, #tpu.memory_space<vmem>>
    %dma_start3A_42 = arith.constant 0 : i32
    %dma_start3A_43 = arith.constant 0 : i32
    %dma_start3A_44 = tpu.memref_slice %arg3[%dma_start3A_42, %dma_start3A_43] : memref<100000x128xf32, #tpu.memory_space<hbm>> -> memref<100000x128xf32, #tpu.memory_space<hbm>>
    tpu.enqueue_indirect_dma source(%dma_start3A_44 : memref<100000x128xf32, #tpu.memory_space<hbm>>) target(%dma_start3A_40 : memref<128x128xf32, #tpu.memory_space<vmem>>) offsets(%dma_start3A_41 : memref<128xi32, #tpu.memory_space<vmem>>) semaphore(%arg10 : memref<!tpu.dma_semaphore, #tpu.memory_space<semaphore_mem>>)
    %scan3A = arith.constant 0 : i32
    %scan3A_45 = arith.constant 0 : i32
    %scan3A_46 = arith.constant 6 : i32
    %scan3A_47 = arith.addi %scan3A_45, %scan3A_46 : i32
    %scan3A_48 = arith.constant 1 : i32
    scf.for %scan3A_50 = %scan3A_45 to %scan3A_47 step %scan3A_48  : i32 {
      %mul3A_51 = arith.constant 4 : i32
      %mul3A_52 = arith.muli %scan3A_50, %mul3A_51 : i32
      %multiple_of3A_53 = tpu.assume_multiple %mul3A_52, 4 : i32
      %dma_wait3A = arith.constant 0 : i32
      %dma_wait3A_54 = arith.constant 0 : i32
      %dma_wait3A_55 = arith.constant 0 : i32
      %dma_wait3A_56 = tpu.memref_slice %arg6[%dma_wait3A, %dma_wait3A_54, %dma_wait3A_55] : memref<4x128x128xf32, #tpu.memory_space<vmem>> -> memref<1x128x128xf32, #tpu.memory_space<vmem>>
      %dma_wait3A_57 = tpu.memref_squeeze %dma_wait3A_56 : memref<1x128x128xf32, #tpu.memory_space<vmem>> -> memref<128x128xf32, #tpu.memory_space<vmem>>
      %dma_wait3A_58 = arith.constant 0 : i32
      %dma_wait3A_59 = arith.constant 0 : i32
      %dma_wait3A_60 = tpu.memref_slice %arg3[%dma_wait3A_58, %dma_wait3A_59] : memref<100000x128xf32, #tpu.memory_space<hbm>> -> memref<128x128xf32, #tpu.memory_space<hbm>>
      %dma_wait3A_61 = arith.constant 0 : i32
      %dma_wait3A_62 = arith.constant 0 : i32
      %dma_wait3A_63 = tpu.memref_slice %arg6[%dma_wait3A, %dma_wait3A_61, %dma_wait3A_62] : memref<4x128x128xf32, #tpu.memory_space<vmem>> -> memref<1x128x128xf32, #tpu.memory_space<vmem>>
      %dma_wait3A_64 = tpu.memref_squeeze %dma_wait3A_63 : memref<1x128x128xf32, #tpu.memory_space<vmem>> -> memref<128x128xf32, #tpu.memory_space<vmem>>
      %dma_wait3A_65 = arith.constant 0 : i32
      %dma_wait3A_66 = arith.constant 0 : i32
      %dma_wait3A_67 = tpu.memref_slice %arg3[%dma_wait3A_65, %dma_wait3A_66] : memref<100000x128xf32, #tpu.memory_space<hbm>> -> memref<128x128xf32, #tpu.memory_space<hbm>>
      tpu.wait_dma2 semaphore(%arg7 : memref<!tpu.dma_semaphore, #tpu.memory_space<semaphore_mem>>) src(%dma_wait3A_67 : memref<128x128xf32, #tpu.memory_space<hbm>>) dst(%dma_wait3A_64 : memref<128x128xf32, #tpu.memory_space<vmem>>)
      %add3A_68 = arith.constant 0 : i32
      %add3A_69 = arith.addi %multiple_of3A_53, %add3A_68 : i32
      %mul3A_70 = arith.constant 128 : i32
      %mul3A_71 = arith.muli %add3A_69, %mul3A_70 : i32
      %multiple_of3A_72 = tpu.assume_multiple %mul3A_71, 128 : i32
      %add3A_73 = arith.addi %mul3A_2, %multiple_of3A_72 : i32
      %run_scoped3A = arith.constant 0 : i32
      "tpu.region"() ({
        %run_scoped3A_173 = tpu.sem_alloc : memref<!tpu.dma_semaphore, #tpu.memory_space<semaphore_mem>>
        %dma_start3A_174 = arith.constant 0 : i32
        %dma_start3A_175 = arith.constant 0 : i32
        %dma_start3A_176 = tpu.memref_slice %arg6[%run_scoped3A, %dma_start3A_174, %dma_start3A_175] : memref<4x128x128xf32, #tpu.memory_space<vmem>> -> memref<1x128x128xf32, #tpu.memory_space<vmem>>
        %dma_start3A_177 = tpu.memref_squeeze %dma_start3A_176 : memref<1x128x128xf32, #tpu.memory_space<vmem>> -> memref<128x128xf32, #tpu.memory_space<vmem>>
        %dma_start3A_178 = arith.constant 0 : i32
        %dma_start3A_179 = tpu.memref_slice %arg4[%add3A_73, %dma_start3A_178] : memref<98304x128xf32, #tpu.memory_space<hbm>> -> memref<128x128xf32, #tpu.memory_space<hbm>>
        %dma_start3A_180 = arith.constant 0 : i32
        %dma_start3A_181 = tpu.memref_slice %arg4[%add3A_73, %dma_start3A_180] : memref<98304x128xf32, #tpu.memory_space<hbm>> -> memref<128x128xf32, #tpu.memory_space<hbm>>
        %dma_start3A_182 = arith.constant 0 : i32
        %dma_start3A_183 = arith.constant 0 : i32
        %dma_start3A_184 = tpu.memref_slice %arg6[%run_scoped3A, %dma_start3A_182, %dma_start3A_183] : memref<4x128x128xf32, #tpu.memory_space<vmem>> -> memref<1x128x128xf32, #tpu.memory_space<vmem>>
        %dma_start3A_185 = tpu.memref_squeeze %dma_start3A_184 : memref<1x128x128xf32, #tpu.memory_space<vmem>> -> memref<128x128xf32, #tpu.memory_space<vmem>>
        tpu.enqueue_dma source(%dma_start3A_185 : memref<128x128xf32, #tpu.memory_space<vmem>>) target(%dma_start3A_181 : memref<128x128xf32, #tpu.memory_space<hbm>>) target_semaphore(%run_scoped3A_173 : memref<!tpu.dma_semaphore, #tpu.memory_space<semaphore_mem>>)
        %dma_wait3A_186 = arith.constant 0 : i32
        %dma_wait3A_187 = arith.constant 0 : i32
        %dma_wait3A_188 = tpu.memref_slice %arg6[%run_scoped3A, %dma_wait3A_186, %dma_wait3A_187] : memref<4x128x128xf32, #tpu.memory_space<vmem>> -> memref<1x128x128xf32, #tpu.memory_space<vmem>>
        %dma_wait3A_189 = tpu.memref_squeeze %dma_wait3A_188 : memref<1x128x128xf32, #tpu.memory_space<vmem>> -> memref<128x128xf32, #tpu.memory_space<vmem>>
        %dma_wait3A_190 = arith.constant 0 : i32
        %dma_wait3A_191 = tpu.memref_slice %arg4[%add3A_73, %dma_wait3A_190] : memref<98304x128xf32, #tpu.memory_space<hbm>> -> memref<128x128xf32, #tpu.memory_space<hbm>>
        %dma_wait3A_192 = arith.constant 0 : i32
        %dma_wait3A_193 = tpu.memref_slice %arg4[%add3A_73, %dma_wait3A_192] : memref<98304x128xf32, #tpu.memory_space<hbm>> -> memref<128x128xf32, #tpu.memory_space<hbm>>
        %dma_wait3A_194 = arith.constant 0 : i32
        %dma_wait3A_195 = arith.constant 0 : i32
        %dma_wait3A_196 = tpu.memref_slice %arg6[%run_scoped3A, %dma_wait3A_194, %dma_wait3A_195] : memref<4x128x128xf32, #tpu.memory_space<vmem>> -> memref<1x128x128xf32, #tpu.memory_space<vmem>>
        %dma_wait3A_197 = tpu.memref_squeeze %dma_wait3A_196 : memref<1x128x128xf32, #tpu.memory_space<vmem>> -> memref<128x128xf32, #tpu.memory_space<vmem>>
        tpu.wait_dma2 semaphore(%run_scoped3A_173 : memref<!tpu.dma_semaphore, #tpu.memory_space<semaphore_mem>>) src(%dma_wait3A_197 : memref<128x128xf32, #tpu.memory_space<vmem>>) dst(%dma_wait3A_193 : memref<128x128xf32, #tpu.memory_space<hbm>>)
        tpu.yield
      }) : () -> ()
      %add3A_74 = arith.constant 0 : i32
      %add3A_75 = arith.addi %multiple_of3A_53, %add3A_74 : i32
      %add3A_76 = arith.constant 4 : i32
      %add3A_77 = arith.addi %add3A_75, %add3A_76 : i32
      %lt3A = arith.constant 24 : i32
      %lt3A_78 = arith.cmpi slt, %add3A_77, %lt3A : i32
      %convert_element_type3A = arith.extui %lt3A_78 : i1 to i32
      %cond3A = arith.constant 0 : i32
      %cond3A_79 = arith.cmpi ne, %convert_element_type3A, %cond3A : i32
      scf.if %cond3A_79 {
        %add3A_173 = arith.constant 0 : i32
        %add3A_174 = arith.addi %multiple_of3A_53, %add3A_173 : i32
        %add3A_175 = arith.constant 4 : i32
        %add3A_176 = arith.addi %add3A_174, %add3A_175 : i32
        %mul3A_177 = arith.constant 128 : i32
        %mul3A_178 = arith.muli %add3A_176, %mul3A_177 : i32
        %multiple_of3A_179 = tpu.assume_multiple %mul3A_178, 128 : i32
        %dma_start3A_180 = arith.constant 0 : i32
        %dma_start3A_181 = arith.constant 0 : i32
        %dma_start3A_182 = arith.constant 0 : i32
        %dma_start3A_183 = tpu.memref_slice %arg6[%dma_start3A_180, %dma_start3A_181, %dma_start3A_182] : memref<4x128x128xf32, #tpu.memory_space<vmem>> -> memref<1x128x128xf32, #tpu.memory_space<vmem>>
        %dma_start3A_184 = tpu.memref_squeeze %dma_start3A_183 : memref<1x128x128xf32, #tpu.memory_space<vmem>> -> memref<128x128xf32, #tpu.memory_space<vmem>>
        %dma_start3A_185 = tpu.memref_slice %arg5[%multiple_of3A_179] : memref<3072xi32, #tpu.memory_space<vmem>> -> memref<128xi32, #tpu.memory_space<vmem>>
        %dma_start3A_186 = arith.constant 0 : i32
        %dma_start3A_187 = arith.constant 0 : i32
        %dma_start3A_188 = tpu.memref_slice %arg3[%dma_start3A_186, %dma_start3A_187] : memref<100000x128xf32, #tpu.memory_space<hbm>> -> memref<100000x128xf32, #tpu.memory_space<hbm>>
        tpu.enqueue_indirect_dma source(%dma_start3A_188 : memref<100000x128xf32, #tpu.memory_space<hbm>>) target(%dma_start3A_184 : memref<128x128xf32, #tpu.memory_space<vmem>>) offsets(%dma_start3A_185 : memref<128xi32, #tpu.memory_space<vmem>>) semaphore(%arg7 : memref<!tpu.dma_semaphore, #tpu.memory_space<semaphore_mem>>)
      } else {
      }
      %dma_wait3A_80 = arith.constant 1 : i32
      %dma_wait3A_81 = arith.constant 0 : i32
      %dma_wait3A_82 = arith.constant 0 : i32
      %dma_wait3A_83 = tpu.memref_slice %arg6[%dma_wait3A_80, %dma_wait3A_81, %dma_wait3A_82] : memref<4x128x128xf32, #tpu.memory_space<vmem>> -> memref<1x128x128xf32, #tpu.memory_space<vmem>>
      %dma_wait3A_84 = tpu.memref_squeeze %dma_wait3A_83 : memref<1x128x128xf32, #tpu.memory_space<vmem>> -> memref<128x128xf32, #tpu.memory_space<vmem>>
      %dma_wait3A_85 = arith.constant 0 : i32
      %dma_wait3A_86 = arith.constant 0 : i32
      %dma_wait3A_87 = tpu.memref_slice %arg3[%dma_wait3A_85, %dma_wait3A_86] : memref<100000x128xf32, #tpu.memory_space<hbm>> -> memref<128x128xf32, #tpu.memory_space<hbm>>
      %dma_wait3A_88 = arith.constant 0 : i32
      %dma_wait3A_89 = arith.constant 0 : i32
      %dma_wait3A_90 = tpu.memref_slice %arg6[%dma_wait3A_80, %dma_wait3A_88, %dma_wait3A_89] : memref<4x128x128xf32, #tpu.memory_space<vmem>> -> memref<1x128x128xf32, #tpu.memory_space<vmem>>
      %dma_wait3A_91 = tpu.memref_squeeze %dma_wait3A_90 : memref<1x128x128xf32, #tpu.memory_space<vmem>> -> memref<128x128xf32, #tpu.memory_space<vmem>>
      %dma_wait3A_92 = arith.constant 0 : i32
      %dma_wait3A_93 = arith.constant 0 : i32
      %dma_wait3A_94 = tpu.memref_slice %arg3[%dma_wait3A_92, %dma_wait3A_93] : memref<100000x128xf32, #tpu.memory_space<hbm>> -> memref<128x128xf32, #tpu.memory_space<hbm>>
      tpu.wait_dma2 semaphore(%arg8 : memref<!tpu.dma_semaphore, #tpu.memory_space<semaphore_mem>>) src(%dma_wait3A_94 : memref<128x128xf32, #tpu.memory_space<hbm>>) dst(%dma_wait3A_91 : memref<128x128xf32, #tpu.memory_space<vmem>>)
      %add3A_95 = arith.constant 1 : i32
      %add3A_96 = arith.addi %multiple_of3A_53, %add3A_95 : i32
      %mul3A_97 = arith.constant 128 : i32
      %mul3A_98 = arith.muli %add3A_96, %mul3A_97 : i32
      %multiple_of3A_99 = tpu.assume_multiple %mul3A_98, 128 : i32
      %add3A_100 = arith.addi %mul3A_2, %multiple_of3A_99 : i32
      %run_scoped3A_101 = arith.constant 1 : i32
      "tpu.region"() ({
        %run_scoped3A_173 = tpu.sem_alloc : memref<!tpu.dma_semaphore, #tpu.memory_space<semaphore_mem>>
        %dma_start3A_174 = arith.constant 0 : i32
        %dma_start3A_175 = arith.constant 0 : i32
        %dma_start3A_176 = tpu.memref_slice %arg6[%run_scoped3A_101, %dma_start3A_174, %dma_start3A_175] : memref<4x128x128xf32, #tpu.memory_space<vmem>> -> memref<1x128x128xf32, #tpu.memory_space<vmem>>
        %dma_start3A_177 = tpu.memref_squeeze %dma_start3A_176 : memref<1x128x128xf32, #tpu.memory_space<vmem>> -> memref<128x128xf32, #tpu.memory_space<vmem>>
        %dma_start3A_178 = arith.constant 0 : i32
        %dma_start3A_179 = tpu.memref_slice %arg4[%add3A_100, %dma_start3A_178] : memref<98304x128xf32, #tpu.memory_space<hbm>> -> memref<128x128xf32, #tpu.memory_space<hbm>>
        %dma_start3A_180 = arith.constant 0 : i32
        %dma_start3A_181 = tpu.memref_slice %arg4[%add3A_100, %dma_start3A_180] : memref<98304x128xf32, #tpu.memory_space<hbm>> -> memref<128x128xf32, #tpu.memory_space<hbm>>
        %dma_start3A_182 = arith.constant 0 : i32
        %dma_start3A_183 = arith.constant 0 : i32
        %dma_start3A_184 = tpu.memref_slice %arg6[%run_scoped3A_101, %dma_start3A_182, %dma_start3A_183] : memref<4x128x128xf32, #tpu.memory_space<vmem>> -> memref<1x128x128xf32, #tpu.memory_space<vmem>>
        %dma_start3A_185 = tpu.memref_squeeze %dma_start3A_184 : memref<1x128x128xf32, #tpu.memory_space<vmem>> -> memref<128x128xf32, #tpu.memory_space<vmem>>
        tpu.enqueue_dma source(%dma_start3A_185 : memref<128x128xf32, #tpu.memory_space<vmem>>) target(%dma_start3A_181 : memref<128x128xf32, #tpu.memory_space<hbm>>) target_semaphore(%run_scoped3A_173 : memref<!tpu.dma_semaphore, #tpu.memory_space<semaphore_mem>>)
        %dma_wait3A_186 = arith.constant 0 : i32
        %dma_wait3A_187 = arith.constant 0 : i32
        %dma_wait3A_188 = tpu.memref_slice %arg6[%run_scoped3A_101, %dma_wait3A_186, %dma_wait3A_187] : memref<4x128x128xf32, #tpu.memory_space<vmem>> -> memref<1x128x128xf32, #tpu.memory_space<vmem>>
        %dma_wait3A_189 = tpu.memref_squeeze %dma_wait3A_188 : memref<1x128x128xf32, #tpu.memory_space<vmem>> -> memref<128x128xf32, #tpu.memory_space<vmem>>
        %dma_wait3A_190 = arith.constant 0 : i32
        %dma_wait3A_191 = tpu.memref_slice %arg4[%add3A_100, %dma_wait3A_190] : memref<98304x128xf32, #tpu.memory_space<hbm>> -> memref<128x128xf32, #tpu.memory_space<hbm>>
        %dma_wait3A_192 = arith.constant 0 : i32
        %dma_wait3A_193 = tpu.memref_slice %arg4[%add3A_100, %dma_wait3A_192] : memref<98304x128xf32, #tpu.memory_space<hbm>> -> memref<128x128xf32, #tpu.memory_space<hbm>>
        %dma_wait3A_194 = arith.constant 0 : i32
        %dma_wait3A_195 = arith.constant 0 : i32
        %dma_wait3A_196 = tpu.memref_slice %arg6[%run_scoped3A_101, %dma_wait3A_194, %dma_wait3A_195] : memref<4x128x128xf32, #tpu.memory_space<vmem>> -> memref<1x128x128xf32, #tpu.memory_space<vmem>>
        %dma_wait3A_197 = tpu.memref_squeeze %dma_wait3A_196 : memref<1x128x128xf32, #tpu.memory_space<vmem>> -> memref<128x128xf32, #tpu.memory_space<vmem>>
        tpu.wait_dma2 semaphore(%run_scoped3A_173 : memref<!tpu.dma_semaphore, #tpu.memory_space<semaphore_mem>>) src(%dma_wait3A_197 : memref<128x128xf32, #tpu.memory_space<vmem>>) dst(%dma_wait3A_193 : memref<128x128xf32, #tpu.memory_space<hbm>>)
        tpu.yield
      }) : () -> ()
      %add3A_102 = arith.constant 1 : i32
      %add3A_103 = arith.addi %multiple_of3A_53, %add3A_102 : i32
      %add3A_104 = arith.constant 4 : i32
      %add3A_105 = arith.addi %add3A_103, %add3A_104 : i32
      %lt3A_106 = arith.constant 24 : i32
      %lt3A_107 = arith.cmpi slt, %add3A_105, %lt3A_106 : i32
      %convert_element_type3A_108 = arith.extui %lt3A_107 : i1 to i32
      %cond3A_109 = arith.constant 0 : i32
      %cond3A_110 = arith.cmpi ne, %convert_element_type3A_108, %cond3A_109 : i32
      scf.if %cond3A_110 {
        %add3A_173 = arith.constant 1 : i32
        %add3A_174 = arith.addi %multiple_of3A_53, %add3A_173 : i32
        %add3A_175 = arith.constant 4 : i32
        %add3A_176 = arith.addi %add3A_174, %add3A_175 : i32
        %mul3A_177 = arith.constant 128 : i32
        %mul3A_178 = arith.muli %add3A_176, %mul3A_177 : i32
        %multiple_of3A_179 = tpu.assume_multiple %mul3A_178, 128 : i32
        %dma_start3A_180 = arith.constant 1 : i32
        %dma_start3A_181 = arith.constant 0 : i32
        %dma_start3A_182 = arith.constant 0 : i32
        %dma_start3A_183 = tpu.memref_slice %arg6[%dma_start3A_180, %dma_start3A_181, %dma_start3A_182] : memref<4x128x128xf32, #tpu.memory_space<vmem>> -> memref<1x128x128xf32, #tpu.memory_space<vmem>>
        %dma_start3A_184 = tpu.memref_squeeze %dma_start3A_183 : memref<1x128x128xf32, #tpu.memory_space<vmem>> -> memref<128x128xf32, #tpu.memory_space<vmem>>
        %dma_start3A_185 = tpu.memref_slice %arg5[%multiple_of3A_179] : memref<3072xi32, #tpu.memory_space<vmem>> -> memref<128xi32, #tpu.memory_space<vmem>>
        %dma_start3A_186 = arith.constant 0 : i32
        %dma_start3A_187 = arith.constant 0 : i32
        %dma_start3A_188 = tpu.memref_slice %arg3[%dma_start3A_186, %dma_start3A_187] : memref<100000x128xf32, #tpu.memory_space<hbm>> -> memref<100000x128xf32, #tpu.memory_space<hbm>>
        tpu.enqueue_indirect_dma source(%dma_start3A_188 : memref<100000x128xf32, #tpu.memory_space<hbm>>) target(%dma_start3A_184 : memref<128x128xf32, #tpu.memory_space<vmem>>) offsets(%dma_start3A_185 : memref<128xi32, #tpu.memory_space<vmem>>) semaphore(%arg8 : memref<!tpu.dma_semaphore, #tpu.memory_space<semaphore_mem>>)
      } else {
      }
      %dma_wait3A_111 = arith.constant 2 : i32
      %dma_wait3A_112 = arith.constant 0 : i32
      %dma_wait3A_113 = arith.constant 0 : i32
      %dma_wait3A_114 = tpu.memref_slice %arg6[%dma_wait3A_111, %dma_wait3A_112, %dma_wait3A_113] : memref<4x128x128xf32, #tpu.memory_space<vmem>> -> memref<1x128x128xf32, #tpu.memory_space<vmem>>
      %dma_wait3A_115 = tpu.memref_squeeze %dma_wait3A_114 : memref<1x128x128xf32, #tpu.memory_space<vmem>> -> memref<128x128xf32, #tpu.memory_space<vmem>>
      %dma_wait3A_116 = arith.constant 0 : i32
      %dma_wait3A_117 = arith.constant 0 : i32
      %dma_wait3A_118 = tpu.memref_slice %arg3[%dma_wait3A_116, %dma_wait3A_117] : memref<100000x128xf32, #tpu.memory_space<hbm>> -> memref<128x128xf32, #tpu.memory_space<hbm>>
      %dma_wait3A_119 = arith.constant 0 : i32
      %dma_wait3A_120 = arith.constant 0 : i32
      %dma_wait3A_121 = tpu.memref_slice %arg6[%dma_wait3A_111, %dma_wait3A_119, %dma_wait3A_120] : memref<4x128x128xf32, #tpu.memory_space<vmem>> -> memref<1x128x128xf32, #tpu.memory_space<vmem>>
      %dma_wait3A_122 = tpu.memref_squeeze %dma_wait3A_121 : memref<1x128x128xf32, #tpu.memory_space<vmem>> -> memref<128x128xf32, #tpu.memory_space<vmem>>
      %dma_wait3A_123 = arith.constant 0 : i32
      %dma_wait3A_124 = arith.constant 0 : i32
      %dma_wait3A_125 = tpu.memref_slice %arg3[%dma_wait3A_123, %dma_wait3A_124] : memref<100000x128xf32, #tpu.memory_space<hbm>> -> memref<128x128xf32, #tpu.memory_space<hbm>>
      tpu.wait_dma2 semaphore(%arg9 : memref<!tpu.dma_semaphore, #tpu.memory_space<semaphore_mem>>) src(%dma_wait3A_125 : memref<128x128xf32, #tpu.memory_space<hbm>>) dst(%dma_wait3A_122 : memref<128x128xf32, #tpu.memory_space<vmem>>)
      %add3A_126 = arith.constant 2 : i32
      %add3A_127 = arith.addi %multiple_of3A_53, %add3A_126 : i32
      %mul3A_128 = arith.constant 128 : i32
      %mul3A_129 = arith.muli %add3A_127, %mul3A_128 : i32
      %multiple_of3A_130 = tpu.assume_multiple %mul3A_129, 128 : i32
      %add3A_131 = arith.addi %mul3A_2, %multiple_of3A_130 : i32
      %run_scoped3A_132 = arith.constant 2 : i32
      "tpu.region"() ({
        %run_scoped3A_173 = tpu.sem_alloc : memref<!tpu.dma_semaphore, #tpu.memory_space<semaphore_mem>>
        %dma_start3A_174 = arith.constant 0 : i32
        %dma_start3A_175 = arith.constant 0 : i32
        %dma_start3A_176 = tpu.memref_slice %arg6[%run_scoped3A_132, %dma_start3A_174, %dma_start3A_175] : memref<4x128x128xf32, #tpu.memory_space<vmem>> -> memref<1x128x128xf32, #tpu.memory_space<vmem>>
        %dma_start3A_177 = tpu.memref_squeeze %dma_start3A_176 : memref<1x128x128xf32, #tpu.memory_space<vmem>> -> memref<128x128xf32, #tpu.memory_space<vmem>>
        %dma_start3A_178 = arith.constant 0 : i32
        %dma_start3A_179 = tpu.memref_slice %arg4[%add3A_131, %dma_start3A_178] : memref<98304x128xf32, #tpu.memory_space<hbm>> -> memref<128x128xf32, #tpu.memory_space<hbm>>
        %dma_start3A_180 = arith.constant 0 : i32
        %dma_start3A_181 = tpu.memref_slice %arg4[%add3A_131, %dma_start3A_180] : memref<98304x128xf32, #tpu.memory_space<hbm>> -> memref<128x128xf32, #tpu.memory_space<hbm>>
        %dma_start3A_182 = arith.constant 0 : i32
        %dma_start3A_183 = arith.constant 0 : i32
        %dma_start3A_184 = tpu.memref_slice %arg6[%run_scoped3A_132, %dma_start3A_182, %dma_start3A_183] : memref<4x128x128xf32, #tpu.memory_space<vmem>> -> memref<1x128x128xf32, #tpu.memory_space<vmem>>
        %dma_start3A_185 = tpu.memref_squeeze %dma_start3A_184 : memref<1x128x128xf32, #tpu.memory_space<vmem>> -> memref<128x128xf32, #tpu.memory_space<vmem>>
        tpu.enqueue_dma source(%dma_start3A_185 : memref<128x128xf32, #tpu.memory_space<vmem>>) target(%dma_start3A_181 : memref<128x128xf32, #tpu.memory_space<hbm>>) target_semaphore(%run_scoped3A_173 : memref<!tpu.dma_semaphore, #tpu.memory_space<semaphore_mem>>)
        %dma_wait3A_186 = arith.constant 0 : i32
        %dma_wait3A_187 = arith.constant 0 : i32
        %dma_wait3A_188 = tpu.memref_slice %arg6[%run_scoped3A_132, %dma_wait3A_186, %dma_wait3A_187] : memref<4x128x128xf32, #tpu.memory_space<vmem>> -> memref<1x128x128xf32, #tpu.memory_space<vmem>>
        %dma_wait3A_189 = tpu.memref_squeeze %dma_wait3A_188 : memref<1x128x128xf32, #tpu.memory_space<vmem>> -> memref<128x128xf32, #tpu.memory_space<vmem>>
        %dma_wait3A_190 = arith.constant 0 : i32
        %dma_wait3A_191 = tpu.memref_slice %arg4[%add3A_131, %dma_wait3A_190] : memref<98304x128xf32, #tpu.memory_space<hbm>> -> memref<128x128xf32, #tpu.memory_space<hbm>>
        %dma_wait3A_192 = arith.constant 0 : i32
        %dma_wait3A_193 = tpu.memref_slice %arg4[%add3A_131, %dma_wait3A_192] : memref<98304x128xf32, #tpu.memory_space<hbm>> -> memref<128x128xf32, #tpu.memory_space<hbm>>
        %dma_wait3A_194 = arith.constant 0 : i32
        %dma_wait3A_195 = arith.constant 0 : i32
        %dma_wait3A_196 = tpu.memref_slice %arg6[%run_scoped3A_132, %dma_wait3A_194, %dma_wait3A_195] : memref<4x128x128xf32, #tpu.memory_space<vmem>> -> memref<1x128x128xf32, #tpu.memory_space<vmem>>
        %dma_wait3A_197 = tpu.memref_squeeze %dma_wait3A_196 : memref<1x128x128xf32, #tpu.memory_space<vmem>> -> memref<128x128xf32, #tpu.memory_space<vmem>>
        tpu.wait_dma2 semaphore(%run_scoped3A_173 : memref<!tpu.dma_semaphore, #tpu.memory_space<semaphore_mem>>) src(%dma_wait3A_197 : memref<128x128xf32, #tpu.memory_space<vmem>>) dst(%dma_wait3A_193 : memref<128x128xf32, #tpu.memory_space<hbm>>)
        tpu.yield
      }) : () -> ()
      %add3A_133 = arith.constant 2 : i32
      %add3A_134 = arith.addi %multiple_of3A_53, %add3A_133 : i32
      %add3A_135 = arith.constant 4 : i32
      %add3A_136 = arith.addi %add3A_134, %add3A_135 : i32
      %lt3A_137 = arith.constant 24 : i32
      %lt3A_138 = arith.cmpi slt, %add3A_136, %lt3A_137 : i32
      %convert_element_type3A_139 = arith.extui %lt3A_138 : i1 to i32
      %cond3A_140 = arith.constant 0 : i32
      %cond3A_141 = arith.cmpi ne, %convert_element_type3A_139, %cond3A_140 : i32
      scf.if %cond3A_141 {
        %add3A_173 = arith.constant 2 : i32
        %add3A_174 = arith.addi %multiple_of3A_53, %add3A_173 : i32
        %add3A_175 = arith.constant 4 : i32
        %add3A_176 = arith.addi %add3A_174, %add3A_175 : i32
        %mul3A_177 = arith.constant 128 : i32
        %mul3A_178 = arith.muli %add3A_176, %mul3A_177 : i32
        %multiple_of3A_179 = tpu.assume_multiple %mul3A_178, 128 : i32
        %dma_start3A_180 = arith.constant 2 : i32
        %dma_start3A_181 = arith.constant 0 : i32
        %dma_start3A_182 = arith.constant 0 : i32
        %dma_start3A_183 = tpu.memref_slice %arg6[%dma_start3A_180, %dma_start3A_181, %dma_start3A_182] : memref<4x128x128xf32, #tpu.memory_space<vmem>> -> memref<1x128x128xf32, #tpu.memory_space<vmem>>
        %dma_start3A_184 = tpu.memref_squeeze %dma_start3A_183 : memref<1x128x128xf32, #tpu.memory_space<vmem>> -> memref<128x128xf32, #tpu.memory_space<vmem>>
        %dma_start3A_185 = tpu.memref_slice %arg5[%multiple_of3A_179] : memref<3072xi32, #tpu.memory_space<vmem>> -> memref<128xi32, #tpu.memory_space<vmem>>
        %dma_start3A_186 = arith.constant 0 : i32
        %dma_start3A_187 = arith.constant 0 : i32
        %dma_start3A_188 = tpu.memref_slice %arg3[%dma_start3A_186, %dma_start3A_187] : memref<100000x128xf32, #tpu.memory_space<hbm>> -> memref<100000x128xf32, #tpu.memory_space<hbm>>
        tpu.enqueue_indirect_dma source(%dma_start3A_188 : memref<100000x128xf32, #tpu.memory_space<hbm>>) target(%dma_start3A_184 : memref<128x128xf32, #tpu.memory_space<vmem>>) offsets(%dma_start3A_185 : memref<128xi32, #tpu.memory_space<vmem>>) semaphore(%arg9 : memref<!tpu.dma_semaphore, #tpu.memory_space<semaphore_mem>>)
      } else {
      }
      %dma_wait3A_142 = arith.constant 3 : i32
      %dma_wait3A_143 = arith.constant 0 : i32
      %dma_wait3A_144 = arith.constant 0 : i32
      %dma_wait3A_145 = tpu.memref_slice %arg6[%dma_wait3A_142, %dma_wait3A_143, %dma_wait3A_144] : memref<4x128x128xf32, #tpu.memory_space<vmem>> -> memref<1x128x128xf32, #tpu.memory_space<vmem>>
      %dma_wait3A_146 = tpu.memref_squeeze %dma_wait3A_145 : memref<1x128x128xf32, #tpu.memory_space<vmem>> -> memref<128x128xf32, #tpu.memory_space<vmem>>
      %dma_wait3A_147 = arith.constant 0 : i32
      %dma_wait3A_148 = arith.constant 0 : i32
      %dma_wait3A_149 = tpu.memref_slice %arg3[%dma_wait3A_147, %dma_wait3A_148] : memref<100000x128xf32, #tpu.memory_space<hbm>> -> memref<128x128xf32, #tpu.memory_space<hbm>>
      %dma_wait3A_150 = arith.constant 0 : i32
      %dma_wait3A_151 = arith.constant 0 : i32
      %dma_wait3A_152 = tpu.memref_slice %arg6[%dma_wait3A_142, %dma_wait3A_150, %dma_wait3A_151] : memref<4x128x128xf32, #tpu.memory_space<vmem>> -> memref<1x128x128xf32, #tpu.memory_space<vmem>>
      %dma_wait3A_153 = tpu.memref_squeeze %dma_wait3A_152 : memref<1x128x128xf32, #tpu.memory_space<vmem>> -> memref<128x128xf32, #tpu.memory_space<vmem>>
      %dma_wait3A_154 = arith.constant 0 : i32
      %dma_wait3A_155 = arith.constant 0 : i32
      %dma_wait3A_156 = tpu.memref_slice %arg3[%dma_wait3A_154, %dma_wait3A_155] : memref<100000x128xf32, #tpu.memory_space<hbm>> -> memref<128x128xf32, #tpu.memory_space<hbm>>
      tpu.wait_dma2 semaphore(%arg10 : memref<!tpu.dma_semaphore, #tpu.memory_space<semaphore_mem>>) src(%dma_wait3A_156 : memref<128x128xf32, #tpu.memory_space<hbm>>) dst(%dma_wait3A_153 : memref<128x128xf32, #tpu.memory_space<vmem>>)
      %add3A_157 = arith.constant 3 : i32
      %add3A_158 = arith.addi %multiple_of3A_53, %add3A_157 : i32
      %mul3A_159 = arith.constant 128 : i32
      %mul3A_160 = arith.muli %add3A_158, %mul3A_159 : i32
      %multiple_of3A_161 = tpu.assume_multiple %mul3A_160, 128 : i32
      %add3A_162 = arith.addi %mul3A_2, %multiple_of3A_161 : i32
      %run_scoped3A_163 = arith.constant 3 : i32
      "tpu.region"() ({
        %run_scoped3A_173 = tpu.sem_alloc : memref<!tpu.dma_semaphore, #tpu.memory_space<semaphore_mem>>
        %dma_start3A_174 = arith.constant 0 : i32
        %dma_start3A_175 = arith.constant 0 : i32
        %dma_start3A_176 = tpu.memref_slice %arg6[%run_scoped3A_163, %dma_start3A_174, %dma_start3A_175] : memref<4x128x128xf32, #tpu.memory_space<vmem>> -> memref<1x128x128xf32, #tpu.memory_space<vmem>>
        %dma_start3A_177 = tpu.memref_squeeze %dma_start3A_176 : memref<1x128x128xf32, #tpu.memory_space<vmem>> -> memref<128x128xf32, #tpu.memory_space<vmem>>
        %dma_start3A_178 = arith.constant 0 : i32
        %dma_start3A_179 = tpu.memref_slice %arg4[%add3A_162, %dma_start3A_178] : memref<98304x128xf32, #tpu.memory_space<hbm>> -> memref<128x128xf32, #tpu.memory_space<hbm>>
        %dma_start3A_180 = arith.constant 0 : i32
        %dma_start3A_181 = tpu.memref_slice %arg4[%add3A_162, %dma_start3A_180] : memref<98304x128xf32, #tpu.memory_space<hbm>> -> memref<128x128xf32, #tpu.memory_space<hbm>>
        %dma_start3A_182 = arith.constant 0 : i32
        %dma_start3A_183 = arith.constant 0 : i32
        %dma_start3A_184 = tpu.memref_slice %arg6[%run_scoped3A_163, %dma_start3A_182, %dma_start3A_183] : memref<4x128x128xf32, #tpu.memory_space<vmem>> -> memref<1x128x128xf32, #tpu.memory_space<vmem>>
        %dma_start3A_185 = tpu.memref_squeeze %dma_start3A_184 : memref<1x128x128xf32, #tpu.memory_space<vmem>> -> memref<128x128xf32, #tpu.memory_space<vmem>>
        tpu.enqueue_dma source(%dma_start3A_185 : memref<128x128xf32, #tpu.memory_space<vmem>>) target(%dma_start3A_181 : memref<128x128xf32, #tpu.memory_space<hbm>>) target_semaphore(%run_scoped3A_173 : memref<!tpu.dma_semaphore, #tpu.memory_space<semaphore_mem>>)
        %dma_wait3A_186 = arith.constant 0 : i32
        %dma_wait3A_187 = arith.constant 0 : i32
        %dma_wait3A_188 = tpu.memref_slice %arg6[%run_scoped3A_163, %dma_wait3A_186, %dma_wait3A_187] : memref<4x128x128xf32, #tpu.memory_space<vmem>> -> memref<1x128x128xf32, #tpu.memory_space<vmem>>
        %dma_wait3A_189 = tpu.memref_squeeze %dma_wait3A_188 : memref<1x128x128xf32, #tpu.memory_space<vmem>> -> memref<128x128xf32, #tpu.memory_space<vmem>>
        %dma_wait3A_190 = arith.constant 0 : i32
        %dma_wait3A_191 = tpu.memref_slice %arg4[%add3A_162, %dma_wait3A_190] : memref<98304x128xf32, #tpu.memory_space<hbm>> -> memref<128x128xf32, #tpu.memory_space<hbm>>
        %dma_wait3A_192 = arith.constant 0 : i32
        %dma_wait3A_193 = tpu.memref_slice %arg4[%add3A_162, %dma_wait3A_192] : memref<98304x128xf32, #tpu.memory_space<hbm>> -> memref<128x128xf32, #tpu.memory_space<hbm>>
        %dma_wait3A_194 = arith.constant 0 : i32
        %dma_wait3A_195 = arith.constant 0 : i32
        %dma_wait3A_196 = tpu.memref_slice %arg6[%run_scoped3A_163, %dma_wait3A_194, %dma_wait3A_195] : memref<4x128x128xf32, #tpu.memory_space<vmem>> -> memref<1x128x128xf32, #tpu.memory_space<vmem>>
        %dma_wait3A_197 = tpu.memref_squeeze %dma_wait3A_196 : memref<1x128x128xf32, #tpu.memory_space<vmem>> -> memref<128x128xf32, #tpu.memory_space<vmem>>
        tpu.wait_dma2 semaphore(%run_scoped3A_173 : memref<!tpu.dma_semaphore, #tpu.memory_space<semaphore_mem>>) src(%dma_wait3A_197 : memref<128x128xf32, #tpu.memory_space<vmem>>) dst(%dma_wait3A_193 : memref<128x128xf32, #tpu.memory_space<hbm>>)
        tpu.yield
      }) : () -> ()
      %add3A_164 = arith.constant 3 : i32
      %add3A_165 = arith.addi %multiple_of3A_53, %add3A_164 : i32
      %add3A_166 = arith.constant 4 : i32
      %add3A_167 = arith.addi %add3A_165, %add3A_166 : i32
      %lt3A_168 = arith.constant 24 : i32
      %lt3A_169 = arith.cmpi slt, %add3A_167, %lt3A_168 : i32
      %convert_element_type3A_170 = arith.extui %lt3A_169 : i1 to i32
      %cond3A_171 = arith.constant 0 : i32
      %cond3A_172 = arith.cmpi ne, %convert_element_type3A_170, %cond3A_171 : i32
      scf.if %cond3A_172 {
        %add3A_173 = arith.constant 3 : i32
        %add3A_174 = arith.addi %multiple_of3A_53, %add3A_173 : i32
        %add3A_175 = arith.constant 4 : i32
        %add3A_176 = arith.addi %add3A_174, %add3A_175 : i32
        %mul3A_177 = arith.constant 128 : i32
        %mul3A_178 = arith.muli %add3A_176, %mul3A_177 : i32
        %multiple_of3A_179 = tpu.assume_multiple %mul3A_178, 128 : i32
        %dma_start3A_180 = arith.constant 3 : i32
        %dma_start3A_181 = arith.constant 0 : i32
        %dma_start3A_182 = arith.constant 0 : i32
        %dma_start3A_183 = tpu.memref_slice %arg6[%dma_start3A_180, %dma_start3A_181, %dma_start3A_182] : memref<4x128x128xf32, #tpu.memory_space<vmem>> -> memref<1x128x128xf32, #tpu.memory_space<vmem>>
        %dma_start3A_184 = tpu.memref_squeeze %dma_start3A_183 : memref<1x128x128xf32, #tpu.memory_space<vmem>> -> memref<128x128xf32, #tpu.memory_space<vmem>>
        %dma_start3A_185 = tpu.memref_slice %arg5[%multiple_of3A_179] : memref<3072xi32, #tpu.memory_space<vmem>> -> memref<128xi32, #tpu.memory_space<vmem>>
        %dma_start3A_186 = arith.constant 0 : i32
        %dma_start3A_187 = arith.constant 0 : i32
        %dma_start3A_188 = tpu.memref_slice %arg3[%dma_start3A_186, %dma_start3A_187] : memref<100000x128xf32, #tpu.memory_space<hbm>> -> memref<100000x128xf32, #tpu.memory_space<hbm>>
        tpu.enqueue_indirect_dma source(%dma_start3A_188 : memref<100000x128xf32, #tpu.memory_space<hbm>>) target(%dma_start3A_184 : memref<128x128xf32, #tpu.memory_space<vmem>>) offsets(%dma_start3A_185 : memref<128xi32, #tpu.memory_space<vmem>>) semaphore(%arg10 : memref<!tpu.dma_semaphore, #tpu.memory_space<semaphore_mem>>)
      } else {
      }
    }
    %scan3A_49 = arith.constant 6 : i32
    return
  }
}

module attributes {stable_mosaic.version = 14 : i64} {
  func.func @_ln_body_aliased(%arg0: i32, %arg1: memref<8x128xf32, #tpu.memory_space<vmem>>, %arg2: memref<8192x128xf32, #tpu.memory_space<vmem>>, %arg3: memref<1x1x8192xi32, #tpu.memory_space<vmem>>, %arg4: memref<8x128xf32, #tpu.memory_space<vmem>>, %arg5: memref<1x128xf32, #tpu.memory_space<vmem>>, %arg6: memref<1x128xf32, #tpu.memory_space<vmem>>, %arg7: memref<8192x128xf32, #tpu.memory_space<vmem>>) attributes {dimension_semantics = [#tpu.dimension_semantics<arbitrary>], iteration_bounds = array<i64: 12>, scalar_prefetch = 0 : i64, scratch_operands = 0 : i64, tpu.core_type = #tpu.core_type<tc>, window_params = [{transform_indices = @transform_0, window_bounds = array<i64: 8, 128>}, {transform_indices = @transform_1, window_bounds = array<i64: 8192, 128>}, {transform_indices = @transform_2, window_bounds = array<i64: 1, 1, 8192>}, {pipeline_mode = #tpu.pipeline_mode<synchronous>, transform_indices = @transform_3, window_bounds = array<i64: 8, 128>}, {pipeline_mode = #tpu.pipeline_mode<synchronous>, transform_indices = @transform_4, window_bounds = array<i64: 1, 128>}, {pipeline_mode = #tpu.pipeline_mode<synchronous>, transform_indices = @transform_5, window_bounds = array<i64: 1, 128>}, {transform_indices = @transform_6, window_bounds = array<i64: 8192, 128>}]} {
    %get3A = arith.constant 0 : index
    %get3A_0 = arith.constant 0 : index
    %get3A_1 = vector.load %arg2[%get3A, %get3A_0] : memref<8192x128xf32, #tpu.memory_space<vmem>>, vector<8192x128xf32>
    %get3A_2 = arith.constant 0 : index
    %get3A_3 = arith.constant 0 : index
    %get3A_4 = arith.constant 0 : index
    %get3A_5 = vector.load %arg3[%get3A_2, %get3A_3, %get3A_4] : memref<1x1x8192xi32, #tpu.memory_space<vmem>>, vector<1x1x8192xi32>
    %get3A_6 = vector.shape_cast %get3A_5 : vector<1x1x8192xi32> to vector<8192xi32>
    %broadcast_in_dim3A = vector.shape_cast %get3A_6 : vector<8192xi32> to vector<8192x1xi32>
    %eq3A = arith.constant 0 : i32
    %eq3A_7 = vector.broadcast %eq3A : i32 to vector<8192x1xi32>
    %eq3A_8 = arith.cmpi eq, %broadcast_in_dim3A, %eq3A_7 : vector<8192x1xi32>
    %get3A_9 = arith.constant 0 : index
    %get3A_10 = arith.constant 0 : index
    %get3A_11 = vector.load %arg4[%get3A_9, %get3A_10] : memref<8x128xf32, #tpu.memory_space<vmem>>, vector<1x128xf32>
    %eq3A_12 = arith.constant 1 : i32
    %eq3A_13 = vector.broadcast %eq3A_12 : i32 to vector<8192x1xi32>
    %eq3A_14 = arith.cmpi eq, %broadcast_in_dim3A, %eq3A_13 : vector<8192x1xi32>
    %get3A_15 = arith.constant 1 : index
    %get3A_16 = arith.constant 0 : index
    %get3A_17 = vector.load %arg4[%get3A_15, %get3A_16] : memref<8x128xf32, #tpu.memory_space<vmem>>, vector<1x128xf32>
    %get3A_18 = arith.constant 2 : index
    %get3A_19 = arith.constant 0 : index
    %get3A_20 = vector.load %arg4[%get3A_18, %get3A_19] : memref<8x128xf32, #tpu.memory_space<vmem>>, vector<1x128xf32>
    %broadcast_in_dim3A_21 = vector.shape_cast %eq3A_14 : vector<8192x1xi1> to vector<8192x1xi1>
    %broadcast_in_dim3A_22 = vector.broadcast %broadcast_in_dim3A_21 : vector<8192x1xi1> to vector<8192x128xi1>
    %broadcast_in_dim3A_23 = vector.shape_cast %get3A_17 : vector<1x128xf32> to vector<1x128xf32>
    %broadcast_in_dim3A_24 = vector.broadcast %broadcast_in_dim3A_23 : vector<1x128xf32> to vector<8192x128xf32>
    %broadcast_in_dim3A_25 = vector.shape_cast %get3A_20 : vector<1x128xf32> to vector<1x128xf32>
    %broadcast_in_dim3A_26 = vector.broadcast %broadcast_in_dim3A_25 : vector<1x128xf32> to vector<8192x128xf32>
    %select_n3A = arith.select %broadcast_in_dim3A_22, %broadcast_in_dim3A_24, %broadcast_in_dim3A_26 : vector<8192x128xi1>, vector<8192x128xf32>
    %broadcast_in_dim3A_27 = vector.shape_cast %eq3A_8 : vector<8192x1xi1> to vector<8192x1xi1>
    %broadcast_in_dim3A_28 = vector.broadcast %broadcast_in_dim3A_27 : vector<8192x1xi1> to vector<8192x128xi1>
    %broadcast_in_dim3A_29 = vector.shape_cast %get3A_11 : vector<1x128xf32> to vector<1x128xf32>
    %broadcast_in_dim3A_30 = vector.broadcast %broadcast_in_dim3A_29 : vector<1x128xf32> to vector<8192x128xf32>
    %select_n3A_31 = arith.select %broadcast_in_dim3A_28, %broadcast_in_dim3A_30, %select_n3A : vector<8192x128xi1>, vector<8192x128xf32>
    %add3A = arith.addf %get3A_1, %select_n3A_31 : vector<8192x128xf32>
    %broadcast_in_dim3A_32 = arith.constant 7.812500e-03 : f32
    %broadcast_in_dim3A_33 = vector.broadcast %broadcast_in_dim3A_32 : f32 to vector<128x128xf32>
    %dot_general3A = arith.constant dense<0.000000e+00> : vector<8192x128xf32>
    %dot_general3A_34 = tpu.matmul %add3A, %broadcast_in_dim3A_33, %dot_general3A {dimension_numbers = #tpu.dot_dimension_numbers<[1], [0], [0], [1], [0, 0, 1, 1], [], []>, transpose_lhs_hint = false} : vector<8192x128xf32>, vector<128x128xf32>, vector<8192x128xf32> -> vector<8192x128xf32>
    %mul3A = arith.mulf %add3A, %add3A : vector<8192x128xf32>
    %dot_general3A_35 = arith.constant dense<0.000000e+00> : vector<8192x128xf32>
    %dot_general3A_36 = tpu.matmul %mul3A, %broadcast_in_dim3A_33, %dot_general3A_35 {dimension_numbers = #tpu.dot_dimension_numbers<[1], [0], [0], [1], [0, 0, 1, 1], [], []>, transpose_lhs_hint = false} : vector<8192x128xf32>, vector<128x128xf32>, vector<8192x128xf32> -> vector<8192x128xf32>
    %mul3A_37 = arith.mulf %dot_general3A_34, %dot_general3A_34 : vector<8192x128xf32>
    %sub3A = arith.subf %dot_general3A_36, %mul3A_37 : vector<8192x128xf32>
    %sub3A_38 = arith.subf %add3A, %dot_general3A_34 : vector<8192x128xf32>
    %add3A_39 = arith.constant 9.99999974E-6 : f32
    %add3A_40 = vector.broadcast %add3A_39 : f32 to vector<8192x128xf32>
    %add3A_41 = arith.addf %sub3A, %add3A_40 : vector<8192x128xf32>
    %rsqrt3A = math.rsqrt %add3A_41 : vector<8192x128xf32>
    %mul3A_42 = arith.mulf %sub3A_38, %rsqrt3A : vector<8192x128xf32>
    %get3A_43 = arith.constant 0 : index
    %get3A_44 = arith.constant 0 : index
    %get3A_45 = vector.load %arg5[%get3A_43, %get3A_44] : memref<1x128xf32, #tpu.memory_space<vmem>>, vector<1x128xf32>
    %mul3A_46 = vector.broadcast %get3A_45 : vector<1x128xf32> to vector<8192x128xf32>
    %mul3A_47 = arith.mulf %mul3A_42, %mul3A_46 : vector<8192x128xf32>
    %get3A_48 = arith.constant 0 : index
    %get3A_49 = arith.constant 0 : index
    %get3A_50 = vector.load %arg6[%get3A_48, %get3A_49] : memref<1x128xf32, #tpu.memory_space<vmem>>, vector<1x128xf32>
    %add3A_51 = vector.broadcast %get3A_50 : vector<1x128xf32> to vector<8192x128xf32>
    %add3A_52 = arith.addf %mul3A_47, %add3A_51 : vector<8192x128xf32>
    %swap3A = arith.constant 0 : index
    %swap3A_53 = arith.constant 0 : index
    %swap3A_54 = vector.load %arg7[%swap3A, %swap3A_53] : memref<8192x128xf32, #tpu.memory_space<vmem>>, vector<8192x128xf32>
    tpu.vector_store %arg7[%swap3A, %swap3A_53], %add3A_52 {strides = array<i32>} : memref<8192x128xf32, #tpu.memory_space<vmem>>, vector<8192x128xf32>,
    return
  }
  func.func @transform_0(%arg0: i32) -> (i32, i32) {
    %c0_i32 = arith.constant 0 : i32
    %c0_i32_0 = arith.constant 0 : i32
    %c0_i32_1 = arith.constant 0 : i32
    return %c0_i32, %c0_i32_0 : i32, i32
  }
  func.func @transform_1(%arg0: i32) -> (i32, i32) {
    %c0_i32 = arith.constant 0 : i32
    %c0_i32_0 = arith.constant 0 : i32
    return %arg0, %c0_i32 : i32, i32
  }
  func.func @transform_2(%arg0: i32) -> (i32, i32, i32) {
    %c0_i32 = arith.constant 0 : i32
    %c0_i32_0 = arith.constant 0 : i32
    %c0_i32_1 = arith.constant 0 : i32
    return %arg0, %c0_i32, %c0_i32_0 : i32, i32, i32
  }
  func.func @transform_3(%arg0: i32) -> (i32, i32) {
    %c0_i32 = arith.constant 0 : i32
    %c0_i32_0 = arith.constant 0 : i32
    %c0_i32_1 = arith.constant 0 : i32
    return %c0_i32, %c0_i32_0 : i32, i32
  }
  func.func @transform_4(%arg0: i32) -> (i32, i32) {
    %c0_i32 = arith.constant 0 : i32
    %c0_i32_0 = arith.constant 0 : i32
    %c0_i32_1 = arith.constant 0 : i32
    return %c0_i32, %c0_i32_0 : i32, i32
  }
  func.func @transform_5(%arg0: i32) -> (i32, i32) {
    %c0_i32 = arith.constant 0 : i32
    %c0_i32_0 = arith.constant 0 : i32
    %c0_i32_1 = arith.constant 0 : i32
    return %c0_i32, %c0_i32_0 : i32, i32
  }
  func.func @transform_6(%arg0: i32) -> (i32, i32) {
    %add3A = arith.constant 13 : i32
    %add3A_0 = arith.addi %arg0, %add3A : i32
    %c0_i32 = arith.constant 0 : i32
    %c0_i32_1 = arith.constant 0 : i32
    return %add3A_0, %c0_i32 : i32, i32
  }
}

module attributes {stable_mosaic.version = 14 : i64} {
  func.func @_ln_body(%arg0: i32, %arg1: memref<8192x128xf32, #tpu.memory_space<vmem>>, %arg2: memref<1x1x8192xi32, #tpu.memory_space<vmem>>, %arg3: memref<8x128xf32, #tpu.memory_space<vmem>>, %arg4: memref<1x128xf32, #tpu.memory_space<vmem>>, %arg5: memref<1x128xf32, #tpu.memory_space<vmem>>, %arg6: memref<8192x128xf32, #tpu.memory_space<vmem>>) attributes {dimension_semantics = [#tpu.dimension_semantics<arbitrary>], iteration_bounds = array<i64: 13>, scalar_prefetch = 0 : i64, scratch_operands = 0 : i64, tpu.core_type = #tpu.core_type<tc>, window_params = [{transform_indices = @transform_0, window_bounds = array<i64: 8192, 128>}, {transform_indices = @transform_1, window_bounds = array<i64: 1, 1, 8192>}, {pipeline_mode = #tpu.pipeline_mode<synchronous>, transform_indices = @transform_2, window_bounds = array<i64: 8, 128>}, {pipeline_mode = #tpu.pipeline_mode<synchronous>, transform_indices = @transform_3, window_bounds = array<i64: 1, 128>}, {pipeline_mode = #tpu.pipeline_mode<synchronous>, transform_indices = @transform_4, window_bounds = array<i64: 1, 128>}, {transform_indices = @transform_5, window_bounds = array<i64: 8192, 128>}]} {
    %get3A = arith.constant 0 : index
    %get3A_0 = arith.constant 0 : index
    %get3A_1 = vector.load %arg1[%get3A, %get3A_0] : memref<8192x128xf32, #tpu.memory_space<vmem>>, vector<8192x128xf32>
    %get3A_2 = arith.constant 0 : index
    %get3A_3 = arith.constant 0 : index
    %get3A_4 = arith.constant 0 : index
    %get3A_5 = vector.load %arg2[%get3A_2, %get3A_3, %get3A_4] : memref<1x1x8192xi32, #tpu.memory_space<vmem>>, vector<1x1x8192xi32>
    %get3A_6 = vector.shape_cast %get3A_5 : vector<1x1x8192xi32> to vector<8192xi32>
    %broadcast_in_dim3A = vector.shape_cast %get3A_6 : vector<8192xi32> to vector<8192x1xi32>
    %eq3A = arith.constant 0 : i32
    %eq3A_7 = vector.broadcast %eq3A : i32 to vector<8192x1xi32>
    %eq3A_8 = arith.cmpi eq, %broadcast_in_dim3A, %eq3A_7 : vector<8192x1xi32>
    %get3A_9 = arith.constant 0 : index
    %get3A_10 = arith.constant 0 : index
    %get3A_11 = vector.load %arg3[%get3A_9, %get3A_10] : memref<8x128xf32, #tpu.memory_space<vmem>>, vector<1x128xf32>
    %eq3A_12 = arith.constant 1 : i32
    %eq3A_13 = vector.broadcast %eq3A_12 : i32 to vector<8192x1xi32>
    %eq3A_14 = arith.cmpi eq, %broadcast_in_dim3A, %eq3A_13 : vector<8192x1xi32>
    %get3A_15 = arith.constant 1 : index
    %get3A_16 = arith.constant 0 : index
    %get3A_17 = vector.load %arg3[%get3A_15, %get3A_16] : memref<8x128xf32, #tpu.memory_space<vmem>>, vector<1x128xf32>
    %get3A_18 = arith.constant 2 : index
    %get3A_19 = arith.constant 0 : index
    %get3A_20 = vector.load %arg3[%get3A_18, %get3A_19] : memref<8x128xf32, #tpu.memory_space<vmem>>, vector<1x128xf32>
    %broadcast_in_dim3A_21 = vector.shape_cast %eq3A_14 : vector<8192x1xi1> to vector<8192x1xi1>
    %broadcast_in_dim3A_22 = vector.broadcast %broadcast_in_dim3A_21 : vector<8192x1xi1> to vector<8192x128xi1>
    %broadcast_in_dim3A_23 = vector.shape_cast %get3A_17 : vector<1x128xf32> to vector<1x128xf32>
    %broadcast_in_dim3A_24 = vector.broadcast %broadcast_in_dim3A_23 : vector<1x128xf32> to vector<8192x128xf32>
    %broadcast_in_dim3A_25 = vector.shape_cast %get3A_20 : vector<1x128xf32> to vector<1x128xf32>
    %broadcast_in_dim3A_26 = vector.broadcast %broadcast_in_dim3A_25 : vector<1x128xf32> to vector<8192x128xf32>
    %select_n3A = arith.select %broadcast_in_dim3A_22, %broadcast_in_dim3A_24, %broadcast_in_dim3A_26 : vector<8192x128xi1>, vector<8192x128xf32>
    %broadcast_in_dim3A_27 = vector.shape_cast %eq3A_8 : vector<8192x1xi1> to vector<8192x1xi1>
    %broadcast_in_dim3A_28 = vector.broadcast %broadcast_in_dim3A_27 : vector<8192x1xi1> to vector<8192x128xi1>
    %broadcast_in_dim3A_29 = vector.shape_cast %get3A_11 : vector<1x128xf32> to vector<1x128xf32>
    %broadcast_in_dim3A_30 = vector.broadcast %broadcast_in_dim3A_29 : vector<1x128xf32> to vector<8192x128xf32>
    %select_n3A_31 = arith.select %broadcast_in_dim3A_28, %broadcast_in_dim3A_30, %select_n3A : vector<8192x128xi1>, vector<8192x128xf32>
    %add3A = arith.addf %get3A_1, %select_n3A_31 : vector<8192x128xf32>
    %broadcast_in_dim3A_32 = arith.constant 7.812500e-03 : f32
    %broadcast_in_dim3A_33 = vector.broadcast %broadcast_in_dim3A_32 : f32 to vector<128x128xf32>
    %dot_general3A = arith.constant dense<0.000000e+00> : vector<8192x128xf32>
    %dot_general3A_34 = tpu.matmul %add3A, %broadcast_in_dim3A_33, %dot_general3A {dimension_numbers = #tpu.dot_dimension_numbers<[1], [0], [0], [1], [0, 0, 1, 1], [], []>, transpose_lhs_hint = false} : vector<8192x128xf32>, vector<128x128xf32>, vector<8192x128xf32> -> vector<8192x128xf32>
    %mul3A = arith.mulf %add3A, %add3A : vector<8192x128xf32>
    %dot_general3A_35 = arith.constant dense<0.000000e+00> : vector<8192x128xf32>
    %dot_general3A_36 = tpu.matmul %mul3A, %broadcast_in_dim3A_33, %dot_general3A_35 {dimension_numbers = #tpu.dot_dimension_numbers<[1], [0], [0], [1], [0, 0, 1, 1], [], []>, transpose_lhs_hint = false} : vector<8192x128xf32>, vector<128x128xf32>, vector<8192x128xf32> -> vector<8192x128xf32>
    %mul3A_37 = arith.mulf %dot_general3A_34, %dot_general3A_34 : vector<8192x128xf32>
    %sub3A = arith.subf %dot_general3A_36, %mul3A_37 : vector<8192x128xf32>
    %sub3A_38 = arith.subf %add3A, %dot_general3A_34 : vector<8192x128xf32>
    %add3A_39 = arith.constant 9.99999974E-6 : f32
    %add3A_40 = vector.broadcast %add3A_39 : f32 to vector<8192x128xf32>
    %add3A_41 = arith.addf %sub3A, %add3A_40 : vector<8192x128xf32>
    %rsqrt3A = math.rsqrt %add3A_41 : vector<8192x128xf32>
    %mul3A_42 = arith.mulf %sub3A_38, %rsqrt3A : vector<8192x128xf32>
    %get3A_43 = arith.constant 0 : index
    %get3A_44 = arith.constant 0 : index
    %get3A_45 = vector.load %arg4[%get3A_43, %get3A_44] : memref<1x128xf32, #tpu.memory_space<vmem>>, vector<1x128xf32>
    %mul3A_46 = vector.broadcast %get3A_45 : vector<1x128xf32> to vector<8192x128xf32>
    %mul3A_47 = arith.mulf %mul3A_42, %mul3A_46 : vector<8192x128xf32>
    %get3A_48 = arith.constant 0 : index
    %get3A_49 = arith.constant 0 : index
    %get3A_50 = vector.load %arg5[%get3A_48, %get3A_49] : memref<1x128xf32, #tpu.memory_space<vmem>>, vector<1x128xf32>
    %add3A_51 = vector.broadcast %get3A_50 : vector<1x128xf32> to vector<8192x128xf32>
    %add3A_52 = arith.addf %mul3A_47, %add3A_51 : vector<8192x128xf32>
    %swap3A = arith.constant 0 : index
    %swap3A_53 = arith.constant 0 : index
    %swap3A_54 = vector.load %arg6[%swap3A, %swap3A_53] : memref<8192x128xf32, #tpu.memory_space<vmem>>, vector<8192x128xf32>
    tpu.vector_store %arg6[%swap3A, %swap3A_53], %add3A_52 {strides = array<i32>} : memref<8192x128xf32, #tpu.memory_space<vmem>>, vector<8192x128xf32>,
    return
  }
  func.func @transform_0(%arg0: i32) -> (i32, i32) {
    %c0_i32 = arith.constant 0 : i32
    %c0_i32_0 = arith.constant 0 : i32
    return %arg0, %c0_i32 : i32, i32
  }
  func.func @transform_1(%arg0: i32) -> (i32, i32, i32) {
    %c0_i32 = arith.constant 0 : i32
    %c0_i32_0 = arith.constant 0 : i32
    %c0_i32_1 = arith.constant 0 : i32
    return %arg0, %c0_i32, %c0_i32_0 : i32, i32, i32
  }
  func.func @transform_2(%arg0: i32) -> (i32, i32) {
    %c0_i32 = arith.constant 0 : i32
    %c0_i32_0 = arith.constant 0 : i32
    %c0_i32_1 = arith.constant 0 : i32
    return %c0_i32, %c0_i32_0 : i32, i32
  }
  func.func @transform_3(%arg0: i32) -> (i32, i32) {
    %c0_i32 = arith.constant 0 : i32
    %c0_i32_0 = arith.constant 0 : i32
    %c0_i32_1 = arith.constant 0 : i32
    return %c0_i32, %c0_i32_0 : i32, i32
  }
  func.func @transform_4(%arg0: i32) -> (i32, i32) {
    %c0_i32 = arith.constant 0 : i32
    %c0_i32_0 = arith.constant 0 : i32
    %c0_i32_1 = arith.constant 0 : i32
    return %c0_i32, %c0_i32_0 : i32, i32
  }
  func.func @transform_5(%arg0: i32) -> (i32, i32) {
    %add3A = arith.constant 0 : i32
    %add3A_0 = arith.addi %arg0, %add3A : i32
    %c0_i32 = arith.constant 0 : i32
    %c0_i32_1 = arith.constant 0 : i32
    return %add3A_0, %c0_i32 : i32, i32
  }
}

</mosaic_0001>

<sc_bundles>
// kernel: kernel.6.cloned.1.call-start
scs
__scs_entry_jumppad:
0x0: {  	(pc) =	sbr.rel $0x88, $3  }
0x1: {  	(tag) =	ssettag $0x0;
	lr =	simm.s32 $0x1  }
0x2: {  	[smem:$0x3F9B] =	sst lr;
	_ =	strace $0xD0000000  }
0x3: {  	_ = 	snop  }
0x4: {  	_ = 	snop  }
0x5: {  	_ = 	snop  }
0x6: {  	_ = 	snop  }
0x7: {  	_ = 	snop  }
__scs_overlays_trampoline_lowered:
0x8: {  	[smem:$0x3FAA] =	sst s0  }
0x9: {  	[smem:$0x3FAB] =	sst s1  }
0xa: {  	[smem:$0x3FAC] =	sst s2  }
0xb: {  	[smem:$0x3FAD] =	sst s3  }
0xc: {  	[smem:$0x3FAE] =	sst s4  }
0xd: {  	[smem:$0x3FAF] =	sst s5  }
0xe: {  	[smem:$0x3FB0] =	sst s6  }
0xf: {  	[smem:$0x3FB1] =	sst s7  }
0x10: {  	[smem:$0x3FB2] =	sst s8  }
0x11: {  	[smem:$0x3FB3] =	sst s9;
	s0 =	simm.s32 @!p0 $0x0  }
0x12: {  	s1 =	sld [smem:$0x3F99];
	s0 =	simm.s32 @p0 $0x1  }
0x13: {  	[smem:$0x3FB4] =	sst s0;
	s0 =	simm.s32 @!p1 $0x0  }
0x14: {  	s2 =	sld [smem:$0x3F98];
	s0 =	simm.s32 @p1 $0x1  }
0x15: {  	[smem:$0x3FB5] =	sst s0;
	s0 =	simm.s32 @!p2 $0x0  }
0x16: {  	s3 =	sld [smem:$0x3FDB];
	s0 =	simm.s32 @p2 $0x1  }
0x17: {  	s4 =	simm.s32 $0x1BF5;
	[smem:$0x3FB7] =	sst s0  }
0x18: {  	s0 =	sld [smem:$0x3F9A];
	_ =	swait.ge [sflag:s4], $0x0  }
0x19: {  	s7 =	sld [smem:$0x3F9B]  }
0x1a: {  	s8 =	sadd.s32 $0xFFFFE003, lr  }
0x1b: {  	s9 =	sadd.s32 $0xFFFFFEF7, lr;
	s5 =	simm.s32 $0xFFFFFFFF;
	p2 =	slt.u32 s8, $0xFFFFF086  }
0x1c: {  	p1 =	slt.u32 s9, $0xF7A;
	s5 =	simm.s32 @!p2 $0x0  }
0x1d: {  	s5 =	simm.s32 @p1 $0x1;
	p0 =	seq.s32 s7, s2  }
0x1e: {  	s7 =	smul.u32 @!p0 $0xF7A, s2;
	p2 =	seq.s32 @!p0 s5, $0x0  }
0x1f: {  	s9 =	smul.u32 $0xF7A, s1;
	s8 =	simm.s32 @!p0 $0x1BF5;
	p2 =	por !p2, p0  }
0x20: {  	[sflag:s8] =	ssyncset.s32 @!p0 $0xFFFFF086;
	s6 =	sadd.s32 @!p0 s3, s7;
	s7 =	simm.s32 @!p0 $0x108  }
0x21: {  	s3 =	sadd.s32 s3, s9;
	s6 =	sadd.s32 @!p0 $0x88, s6;
	s7 =	simm.s32 @p2 $0x1082  }
0x22: {  	[simem:s7], [sflag:s8] =	dma.local @!p0 [hbm:s6], $0xF7A  }
0x23: {  	s9 =	sor.u32 $0xD0000000, s2;
	s6 =	simm.s32 $0x108;
	_ =	swait.ge @!p0 [sflag:s8], $0x0  }
0x24: {  	s3 =	sadd.s32 $0x88, s3;
	s6 =	simm.s32 @!p1 $0x1082;
	[sflag:s4] =	ssyncset.s32 $0xFFFFF086  }
0x25: {  	[simem:s6], [sflag:s4] =	dma.local [hbm:s3], $0xF7A  }
0x26: {  	[smem:$0x3F9B] =	sst s1;
	(tag) =	ssettag s2;
	_ =	strace s9  }
0x27: {  	s1 =	sld [smem:$0x3FAB]  }
0x28: {  	s2 =	sld [smem:$0x3FAC]  }
0x29: {  	s4 =	sld [smem:$0x3FAE]  }
0x2a: {  	p0 =	seq.s32 s5, $0x0;
	s5 =	sld [smem:$0x3FAF]  }
0x2b: {  	s6 =	sld [smem:$0x3FB0]  }
0x2c: {  	s7 =	sld [smem:$0x3FB1]  }
0x2d: {  	s3 =	simm.s32 $0x108;
	s8 =	sld [smem:$0x3FB2]  }
0x2e: {  	s3 =	simm.s32 @!p0 $0x1082;
	s9 =	sld [smem:$0x3FB3]  }
0x2f: {  	lr =	sadd.s32 s0, s3;
	s0 =	sld [smem:$0x3FAA]  }
0x30: {  	s3 =	sld [smem:$0x3FAD]  }
0x31: {  	[smem:$0x3FB6] =	sst s10  }
0x32: {  	s10 =	sld [smem:$0x3FB4];
	_ =	sdelay $0x3  }
0x33: {  	p0 =	seq.s32 s10, $0x1;
	s10 =	sld [smem:$0x3FB6];
	_ =	sdelay $0x3  }
0x34: {  	[smem:$0x3FB6] =	sst s10  }
0x35: {  	s10 =	sld [smem:$0x3FB5];
	_ =	sdelay $0x3  }
0x36: {  	p1 =	seq.s32 s10, $0x1;
	s10 =	sld [smem:$0x3FB6];
	_ =	sdelay $0x3  }
0x37: {  	[smem:$0x3FB6] =	sst s10  }
0x38: {  	s10 =	sld [smem:$0x3FB7]  }
0x39: {  	_ = 	snop;
	(pc) =	sbr.ind lr, $3  }
0x3a: {  	_ = 	snop  }
0x3b: {  	_ = 	snop  }
0x3c: {  	p2 =	seq.s32 s10, $0x1;
	s10 =	sld [smem:$0x3FB6]  }
0x3d: {  	_ =	shalt  }
0x3e: {  	_ =	shalt  }
0x3f: {  	_ =	shalt  }
0x40: {  	_ =	shalt  }
0x41: {  	_ =	shalt  }
0x42: {  	_ =	shalt  }
0x43: {  	_ =	shalt  }
0x44: {  	_ =	shalt  }
0x45: {  	_ =	shalt  }
0x46: {  	_ =	shalt  }
0x47: {  	_ =	shalt  }
0x48: {  	_ =	shalt  }
0x49: {  	_ =	shalt  }
0x4a: {  	_ =	shalt  }
0x4b: {  	_ =	shalt  }
0x4c: {  	_ =	shalt  }
0x4d: {  	_ =	shalt  }
0x4e: {  	_ =	shalt  }
0x4f: {  	_ =	shalt  }
0x50: {  	_ =	shalt  }
0x51: {  	_ =	shalt  }
0x52: {  	_ =	shalt  }
0x53: {  	_ =	shalt  }
0x54: {  	_ =	shalt  }
0x55: {  	_ =	shalt  }
0x56: {  	_ =	shalt  }
0x57: {  	_ =	shalt  }
0x58: {  	_ =	shalt  }
0x59: {  	_ =	shalt  }
0x5a: {  	_ =	shalt  }
0x5b: {  	_ =	shalt  }
0x5c: {  	_ =	shalt  }
0x5d: {  	_ =	shalt  }
0x5e: {  	_ =	shalt  }
0x5f: {  	_ =	shalt  }
0x60: {  	_ =	shalt  }
0x61: {  	_ =	shalt  }
0x62: {  	_ =	shalt  }
0x63: {  	_ =	shalt  }
0x64: {  	_ =	shalt  }
0x65: {  	_ =	shalt  }
0x66: {  	_ =	shalt  }
0x67: {  	_ =	shalt  }
0x68: {  	_ =	shalt  }
0x69: {  	_ =	shalt  }
0x6a: {  	_ =	shalt  }
0x6b: {  	_ =	shalt  }
0x6c: {  	_ =	shalt  }
0x6d: {  	_ =	shalt  }
0x6e: {  	_ =	shalt  }
0x6f: {  	_ =	shalt  }
0x70: {  	_ =	shalt  }
0x71: {  	_ =	shalt  }
0x72: {  	_ =	shalt  }
0x73: {  	_ =	shalt  }
0x74: {  	_ =	shalt  }
0x75: {  	_ =	shalt  }
0x76: {  	_ =	shalt  }
0x77: {  	_ =	shalt  }
0x78: {  	_ =	shalt  }
0x79: {  	_ =	shalt  }
0x7a: {  	_ =	shalt  }
0x7b: {  	_ =	shalt  }
0x7c: {  	_ =	shalt  }
0x7d: {  	_ =	shalt  }
0x7e: {  	_ =	shalt  }
0x7f: {  	_ =	shalt  }
0x80: {  	_ =	shalt  }
0x81: {  	_ =	shalt  }
0x82: {  	_ =	shalt  }
0x83: {  	_ =	shalt  }
0x84: {  	_ =	shalt  }
0x85: {  	_ =	shalt  }
0x86: {  	_ =	shalt  }
0x87: {  	_ =	shalt  }
.Lfunc_end0:
.L_simem_size_0:
called_computation_lowered:
.L_overlay_start_0:
0x88: {  	s2 =	sld [smem:$0x3FD9]  }
0x89: {  	s3 =	sld [smem:$0x3FFE];
	_ =	sdelay $0x1  }
0x8a: {  	s1 =	srdreg.scid  }
0x8b: {  	s0 =	sand.u32 $0x1, s1  }
0x8c: {  	s17 =	sshll.u32 s0, $0xA;
	s2 =	sadd.s32 s3, s2  }
0x8d: {  	s2 =	sadd.s32 s2, s17  }
0x8e: {  	[smem:$0x3FC2] =	sst s2  }
0x8f: {  	_ = 	snop  }
0x90: {  	s2 =	sld [smem:$0x3FC7]  }
0x91: {  	s18 =	sld [smem:$0x3FD0];
	(tm) =	ssettm $0x1  }
0x92: {  	s4 =	sld [smem:$0x3FFB];
	_ =	sdelay $0x3  }
0x93: {  	_ =	strace s4  }
0x94: {  	s4 =	sld [smem:$0x3FFC];
	_ =	sdelay $0x3  }
0x95: {  	_ =	strace s4  }
0x96: {  	s4 =	sld [smem:$0x3FFD];
	_ =	sdelay $0x3  }
0x97: {  	_ =	strace s4  }
0x98: {  	_ =	strace $0x8FFFFFFF  }
0x99: {  	s19 =	sld [smem:$0x3FDB];
	_ =	sdelay $0x1  }
0x9a: {  	s5 =	simm.s32 $_scs_section_size  }
0x9b: {  	s6 =	simm.s32 $_size__tile_overlayer_lowered;
	s7 =	simm.s32 $_tile_overlayer_lowered  }
0x9c: {  	s22 =	simm.s32 $0x1BFF;
	s21 =	sshll.u32 s7, $0x1;
	s4 =	sadd.s32 s5, s19  }
0x9d: {  	s8 =	simm.s32 $0x0;
	s20 =	sshll.u32 s6, $0x1;
	s6 =	sadd.s32 s21, s4  }
0x9e: {  	[timem:s8], [sflag:s22] =	dma.local [hbm:s6], s20  }
0x9f: {  	_ =	swait.ge [sflag:s22], s20  }
0xa0: {  	s5 =	ssub.s32 $0x0, s20;
	[sflag:s22] =	ssyncset.done $0x0  }
0xa1: {  	[sflag:s22] =	ssyncadd.s32 s5;
	_ =	sdelay $0x1  }
0xa2: {  	s23 =	simm.s32 $0x1B8B  }
0xa3: {  	_ =	swait.ge [sflag:s23], $0x1  }
0xa4: {  	[sflag:s23] =	ssyncset.done $0x0  }
0xa5: {  	s25 =	simm.s32 $0x1B8E;
	s24 =	sld [smem:$0x3FFE];
	[sflag:s23] =	ssyncadd.s32 $0xFFFFFFFF  }
0xa6: {  	s26 =	simm.s32 $execute0_lowered;
	[smem:$0x3FD2] =	sst s25  }
0xa7: {  	s6 =	sshll.u32 s26, $0x1;
	_ =	strace $0x80000046;
	[dreg:$0x1] =	wrdreg $0xFFFFFFFF  }
0xa8: {  	s28 =	simm.s32 $_size_execute0_lowered;
	s4 =	sadd.s32 s4, s6;
	[dreg:$0x0] =	wrdreg $0x0  }
0xa9: {  	s6 =	sshll.u32 s28, $0x1;
	[dreg:$0x2] =	wrdreg s4  }
0xaa: {  	[dreg:$0x3] =	wrdreg s6  }
0xab: {  	[dreg:$0x4] =	wrdreg $0xC0  }
0xac: {  	_ =	task [dreg:s8], $0x5FFFF  }
0xad: {  	[dreg:$0x1] =	wrdreg $0xFFFFFFFF  }
0xae: {  	[dreg:$0x0] =	wrdreg $0x60  }
0xaf: {  	[dreg:$0x2] =	wrdreg s18  }
0xb0: {  	[dreg:$0x3] =	wrdreg s2  }
0xb1: {  	[dreg:$0x4] =	wrdreg s24  }
0xb2: {  	[dreg:$0x5] =	wrdreg $0x9  }
0xb3: {  	_ =	task.clear_ibuf [dreg:s8], $0x6FFFF;
	_ =	strace $0x90000046  }
0xb4: {  	s29 =	simm.s32 $0x9;
	_ =	strace $0x80000048  }
0xb5: {  	_ =	swait.ge [sflag:s29], $0x1  }
0xb6: {  	[sflag:s29] =	ssyncadd.s32 $0xFFFFFFFF  }
0xb7: {  	_ =	strace $0x90000048  }
0xb8: {  	_ =	sfence  }
0xb9: {  	s30 =	sld [smem:$0x0];
	_ =	sdelay $0x2  }
0xba: {  	s31 =	sshll.u32 s1, $0xD;
	s1 =	sshrl.u32 s1, $0x2  }
0xbb: {  	s3 =	sand.u32 $0x4000, s31;
	s1 =	sadd.s32 s1, s30  }
0xbc: {  	s0 =	sor.u32 s3, s0;
	s1 =	sshll.u32 s1, $0x11  }
0xbd: {  	s0 =	sor.u32 s1, s0  }
0xbe: {  	s0 =	sadd.s32 $0x8F2B, s0  }
0xbf: {  	[sflag:s0] =	ssyncadd.remote.s32 $0x1  }
0xc0: {  	_ =	sfence.sel $0xFFFF  }
0xc1: {  	[dreg:$0x0] =	wrdreg $0xFFFFFFFF;
	(pc) =	sbr.abs _section_cstart, $3  }
0xc2: {  	[dreg:$0x1] =	wrdreg $0xFFFFFFFF  }
0xc3: {  	_ =	task.clear_ibuf [dreg:s8], $0x2FFFF;
	_ =	strace $0x9FFFFFFF  }
0xc4: {  	(tm) =	ssettm $0x7FFFFFFF  }
0xc5: {  	_ =	shalt  }
tec
execute0_lowered:
.L_overlay_start_1:
0x0: {  	(tag) =	ssettag $0x1  }
0x1: {  	s1 =	rddreg [dreg:$0x0]  }
0x2: {  	s2 =	rddreg [dreg:$0x1];
	s3 =	srdreg.scid  }
0x3: {  	s0 =	stileid.u32;
	s4 =	rddreg [dreg:$0x2]  }
0x4: {  	s15 =	simm.s32 $0x80;
	s16 =	simm.s32 $0xD00;
	s17 =	simm.s32 $0x4D00  }
0x5: {  	s19 =	simm.s32 $0x8D00;
	s20 =	simm.s32 $0x180;
	s21 =	simm.s32 $0xCD00  }
0x6: {  	s22 =	simm.s32 $0x1;
	s23 =	simm.s32 $0x2;
	s30 =	smul.u32 $0xD0000, s0  }
0x7: {  	s28 =	simm.s32 $0xC80;
	s10 =	sand.u32 $0x1, s3;
	s14 =	smul.u32 $0x1A000, s0  }
0x8: {  	s29 =	simm.s32 $0x0;
	s5 =	sshll.u32 s0, $0x1;
	s13 =	smul.u32 $0x68000, s10  }
0x9: {  	s3 =	simm.s32 $0x0;
	s5 =	sor.u32 s10, s5;
	s31 =	smul.u32 $0xD000, s10  }
0xa: {  	s12 =	sadd.s32 $0x1000, s4;
	[smem:$0x7FF] =	sst s3;
	s7 =	smul.u32 $0x68000, s5  }
0xb: {  	s6 =	ssub.s32 $0x2, s10;
	_ =	strace $0x80000047;
	s9 =	smul.u32 $0xD00, s5  }
0xc: {  	s8 =	sshrl.u32 s6, $0x1;
	s11 =	smul.u32 $0xD000, s5;
	s14 =	sadd.s32 s14, s12  }
0xd: {  	s8 =	ssub.s32 s6, s8;
	s24 =	sshrl.u32 s7, $0x3;
	s25 =	sshrl.u32 s9, $0x3  }
0xe: {  	s7 =	smax.u32 s8, $0x1;
	s11 =	sadd.s32 s12, s11;
	s26 =	sadd.s32 s12, s24  }
0xf: {  	s4 =	sadd.s32 s1, s25;
	s9 =	sadd.s32 $0xA800, s11;
	s1 =	sadd.s32 s13, s30  }
0x10: {  	s10 =	sadd.s32 $0xB000, s11;
	s11 =	sadd.s32 $0xB800, s11;
	s13 =	sadd.s32 s31, s14  }
0x11: {  	s14 =	simm.s32 $0x5;
	s24 =	simm.s32 $0x3;
	s25 =	simm.s32 $0x4  }
0x12: {  	s5 =	sadd.s32 $0xC000, s26;
	s6 =	sadd.s32 $0xC800, s26;
	s1 =	sshrl.u32 s1, $0x3  }
0x13: {  	s8 =	sadd.s32 $0xA000, s26;
	s26 =	simm.s32 $0xC00;
	s12 =	sadd.s32 s1, s12  }
.LBB2_1:
0x14: {  	[tilespmem:s3], [sflag:$0x5] =	stream.linear.gather [hbm4b:s4+s3], $0xD00, $0x38;
	[tilespmem:$0x10D00] =	vst v63  }
0x15: {  	_ =	swait.ge [sflag:s14], $0xD00  }
0x16: {  	[sflag:s14] =	ssyncset.done $0x0  }
0x17: {  	[sflag:s14] =	ssyncadd.s32 $0xFFFFF300  }
0x18: {  	[tilespmem:s16], [sflag:$0x1] =	stream.indirect.gather [hbm4b:s2+s15], $0x80, s3, s15, $0xb8;
	[tilespmem:$0x10D00] =	vst v63  }
0x19: {  	_ = 	snop  }
0x1a: {  	[tilespmem:s17], [sflag:$0x2] =	stream.indirect.gather [hbm4b:s2+s15], $0x80, s15, s15, $0xb8;
	[tilespmem:$0x10D00] =	vst v63  }
0x1b: {  	s0 =	simm.s32 $0x100  }
0x1c: {  	[tilespmem:s19], [sflag:$0x3] =	stream.indirect.gather [hbm4b:s2+s15], $0x80, s0, s15, $0xb8;
	[tilespmem:$0x10D00] =	vst v63  }
0x1d: {  	_ = 	snop  }
0x1e: {  	[tilespmem:s21], [sflag:$0x4] =	stream.indirect.gather [hbm4b:s2+s15], $0x80, s20, s15, $0xb8;
	[tilespmem:$0x10D00] =	vst v63  }
0x1f: {  	_ =	swait.ge [sflag:s22], $0x4000  }
0x20: {  	[sflag:s22] =	ssyncset.done $0x0  }
0x21: {  	s1 =	sadd.s32 $0x0, s12;
	[sflag:s22] =	ssyncadd.s32 $0xFFFFC000  }
0x22: {  	[hbm4b:s1+s3] =	stream.linear.scatter [tilespmem:s16], [sflag:$0x5], $0x4000, $0x38;
	[tilespmem:$0x10D00] =	vst v63  }
0x23: {  	_ =	swait.ge [sflag:s14], $0x4000  }
0x24: {  	[sflag:s14] =	ssyncset.done $0x0  }
0x25: {  	s0 =	simm.s32 $0x200;
	[sflag:s14] =	ssyncadd.s32 $0xFFFFC000  }
0x26: {  	[tilespmem:s16], [sflag:$0x1] =	stream.indirect.gather [hbm4b:s2+s15], $0x80, s0, s15, $0xb8;
	[tilespmem:$0x10D00] =	vst v63  }
0x27: {  	_ =	swait.ge [sflag:s23], $0x4000  }
0x28: {  	s18 =	sadd.s32 $0x0, s13;
	[sflag:s23] =	ssyncset.done $0x0  }
0x29: {  	s30 =	sadd.s32 $0x800, s18;
	[sflag:s23] =	ssyncadd.s32 $0xFFFFC000  }
0x2a: {  	[hbm4b:s30+s3] =	stream.linear.scatter [tilespmem:s17], [sflag:$0x5], $0x4000, $0x38;
	[tilespmem:$0x10D00] =	vst v63  }
0x2b: {  	_ =	swait.ge [sflag:s14], $0x4000  }
0x2c: {  	[sflag:s14] =	ssyncset.done $0x0  }
0x2d: {  	s30 =	simm.s32 $0x280;
	[sflag:s14] =	ssyncadd.s32 $0xFFFFC000  }
0x2e: {  	[tilespmem:s17], [sflag:$0x2] =	stream.indirect.gather [hbm4b:s2+s15], $0x80, s30, s15, $0xb8;
	[tilespmem:$0x10D00] =	vst v63  }
0x2f: {  	_ =	swait.ge [sflag:s24], $0x4000  }
0x30: {  	[sflag:s24] =	ssyncset.done $0x0  }
0x31: {  	s30 =	sadd.s32 $0x1000, s18;
	[sflag:s24] =	ssyncadd.s32 $0xFFFFC000  }
0x32: {  	[hbm4b:s30+s3] =	stream.linear.scatter [tilespmem:s19], [sflag:$0x5], $0x4000, $0x38;
	[tilespmem:$0x10D00] =	vst v63  }
0x33: {  	_ =	swait.ge [sflag:s14], $0x4000  }
0x34: {  	[sflag:s14] =	ssyncset.done $0x0  }
0x35: {  	s30 =	simm.s32 $0x300;
	[sflag:s14] =	ssyncadd.s32 $0xFFFFC000  }
0x36: {  	[tilespmem:s19], [sflag:$0x3] =	stream.indirect.gather [hbm4b:s2+s15], $0x80, s30, s15, $0xb8;
	[tilespmem:$0x10D00] =	vst v63  }
0x37: {  	_ =	swait.ge [sflag:s25], $0x4000  }
0x38: {  	[sflag:s25] =	ssyncset.done $0x0  }
0x39: {  	s1 =	sadd.s32 $0x1800, s18;
	[sflag:s25] =	ssyncadd.s32 $0xFFFFC000  }
0x3a: {  	[hbm4b:s1+s3] =	stream.linear.scatter [tilespmem:s21], [sflag:$0x5], $0x4000, $0x38;
	[tilespmem:$0x10D00] =	vst v63  }
0x3b: {  	_ =	swait.ge [sflag:s14], $0x4000  }
0x3c: {  	s31 =	simm.s32 $0x2000;
	[sflag:s14] =	ssyncset.done $0x0  }
0x3d: {  	s30 =	simm.s32 $0x380;
	s1 =	simm.s32 $0x580;
	[sflag:s14] =	ssyncadd.s32 $0xFFFFC000  }
.LBB2_2:
0x3e: {  	[tilespmem:s21], [sflag:$0x4] =	stream.indirect.gather [hbm4b:s2+s15], $0x80, s30, s15, $0xb8;
	[tilespmem:$0x10D00] =	vst v63  }
0x3f: {  	s0 =	smov.u32 s31;
	s30 =	smov.u32 s1  }
0x40: {  	p0 =	sne.s32 s31, $0x8000;
	s31 =	sadd.s32 $0x2000, s31;
	_ =	swait.ge [sflag:s22], $0x4000  }
0x41: {  	[sflag:s22] =	ssyncset.done $0x0  }
0x42: {  	s18 =	sadd.s32 s0, s12;
	[sflag:s22] =	ssyncadd.s32 $0xFFFFC000  }
0x43: {  	[hbm4b:s18+s3] =	stream.linear.scatter [tilespmem:s16], [sflag:$0x5], $0x4000, $0x38;
	[tilespmem:$0x10D00] =	vst v63  }
0x44: {  	_ =	swait.ge [sflag:s14], $0x4000  }
0x45: {  	[sflag:s14] =	ssyncset.done $0x0  }
0x46: {  	s18 =	sadd.s32 $0xFFFFFE80, s1;
	[sflag:s14] =	ssyncadd.s32 $0xFFFFC000  }
0x47: {  	[tilespmem:s16], [sflag:$0x1] =	stream.indirect.gather [hbm4b:s2+s15], $0x80, s18, s15, $0xb8;
	[tilespmem:$0x10D00] =	vst v63  }
0x48: {  	_ =	swait.ge [sflag:s23], $0x4000  }
0x49: {  	s0 =	sadd.s32 s0, s13;
	[sflag:s23] =	ssyncset.done $0x0  }
0x4a: {  	s18 =	sadd.s32 $0x800, s0;
	[sflag:s23] =	ssyncadd.s32 $0xFFFFC000  }
0x4b: {  	[hbm4b:s18+s3] =	stream.linear.scatter [tilespmem:s17], [sflag:$0x5], $0x4000, $0x38;
	[tilespmem:$0x10D00] =	vst v63  }
0x4c: {  	_ =	swait.ge [sflag:s14], $0x4000  }
0x4d: {  	[sflag:s14] =	ssyncset.done $0x0  }
0x4e: {  	s18 =	sadd.s32 $0xFFFFFF00, s1;
	[sflag:s14] =	ssyncadd.s32 $0xFFFFC000  }
0x4f: {  	[tilespmem:s17], [sflag:$0x2] =	stream.indirect.gather [hbm4b:s2+s15], $0x80, s18, s15, $0xb8;
	[tilespmem:$0x10D00] =	vst v63  }
0x50: {  	_ =	swait.ge [sflag:s24], $0x4000  }
0x51: {  	[sflag:s24] =	ssyncset.done $0x0  }
0x52: {  	s18 =	sadd.s32 $0x1000, s0;
	[sflag:s24] =	ssyncadd.s32 $0xFFFFC000  }
0x53: {  	[hbm4b:s18+s3] =	stream.linear.scatter [tilespmem:s19], [sflag:$0x5], $0x4000, $0x38;
	[tilespmem:$0x10D00] =	vst v63  }
0x54: {  	_ =	swait.ge [sflag:s14], $0x4000  }
0x55: {  	[sflag:s14] =	ssyncset.done $0x0  }
0x56: {  	s18 =	sadd.s32 $0xFFFFFF80, s1;
	[sflag:s14] =	ssyncadd.s32 $0xFFFFC000  }
0x57: {  	[tilespmem:s19], [sflag:$0x3] =	stream.indirect.gather [hbm4b:s2+s15], $0x80, s18, s15, $0xb8;
	[tilespmem:$0x10D00] =	vst v63  }
0x58: {  	_ =	swait.ge [sflag:s25], $0x4000  }
0x59: {  	[sflag:s25] =	ssyncset.done $0x0  }
.Ltmp0:
0x5a: {  	s0 =	sadd.s32 $0x1800, s0;
	[sflag:s25] =	ssyncadd.s32 $0xFFFFC000;
	(pc) =	sbr.rel @p0 .LBB2_2-.Ltmp0, $4  }
0x5b: {  	[hbm4b:s0+s3] =	stream.linear.scatter [tilespmem:s21], [sflag:$0x5], $0x4000, $0x38;
	[tilespmem:$0x10D00] =	vst v63  }
0x5c: {  	_ =	swait.ge [sflag:s14], $0x4000  }
0x5d: {  	[sflag:s14] =	ssyncset.done $0x0  }
0x5e: {  	s1 =	sadd.s32 $0x200, s1;
	[sflag:s14] =	ssyncadd.s32 $0xFFFFC000  }
0x5f: {  	[tilespmem:s21], [sflag:$0x4] =	stream.indirect.gather [hbm4b:s2+s15], $0x80, s30, s15, $0xb8;
	[tilespmem:$0x10D00] =	vst v63  }
0x60: {  	_ =	swait.ge [sflag:s22], $0x4000  }
0x61: {  	[sflag:s22] =	ssyncset.done $0x0  }
0x62: {  	[sflag:s22] =	ssyncadd.s32 $0xFFFFC000  }
0x63: {  	[hbm4b:s8+s3] =	stream.linear.scatter [tilespmem:s16], [sflag:$0x5], $0x4000, $0x38;
	[tilespmem:$0x10D00] =	vst v63  }
0x64: {  	_ =	swait.ge [sflag:s14], $0x4000  }
0x65: {  	[sflag:s14] =	ssyncset.done $0x0  }
0x66: {  	[sflag:s14] =	ssyncadd.s32 $0xFFFFC000  }
0x67: {  	[tilespmem:s16], [sflag:$0x1] =	stream.indirect.gather [hbm4b:s2+s15], $0x80, s26, s15, $0xb8;
	[tilespmem:$0x10D00] =	vst v63  }
0x68: {  	_ =	swait.ge [sflag:s23], $0x4000  }
0x69: {  	[sflag:s23] =	ssyncset.done $0x0  }
0x6a: {  	[sflag:s23] =	ssyncadd.s32 $0xFFFFC000  }
0x6b: {  	[hbm4b:s9+s3] =	stream.linear.scatter [tilespmem:s17], [sflag:$0x5], $0x4000, $0x38;
	[tilespmem:$0x10D00] =	vst v63  }
0x6c: {  	_ =	swait.ge [sflag:s14], $0x4000  }
0x6d: {  	[sflag:s14] =	ssyncset.done $0x0  }
0x6e: {  	[sflag:s14] =	ssyncadd.s32 $0xFFFFC000  }
0x6f: {  	[tilespmem:s17], [sflag:$0x2] =	stream.indirect.gather [hbm4b:s2+s15], $0x80, s28, s15, $0xb8;
	[tilespmem:$0x10D00] =	vst v63  }
0x70: {  	_ =	swait.ge [sflag:s24], $0x4000  }
0x71: {  	[sflag:s24] =	ssyncset.done $0x0  }
0x72: {  	[sflag:s24] =	ssyncadd.s32 $0xFFFFC000  }
0x73: {  	[hbm4b:s10+s3] =	stream.linear.scatter [tilespmem:s19], [sflag:$0x5], $0x4000, $0x38;
	[tilespmem:$0x10D00] =	vst v63  }
0x74: {  	_ =	swait.ge [sflag:s14], $0x4000  }
0x75: {  	[sflag:s14] =	ssyncset.done $0x0  }
0x76: {  	[sflag:s14] =	ssyncadd.s32 $0xFFFFC000  }
0x77: {  	_ =	swait.ge [sflag:s25], $0x4000  }
0x78: {  	[sflag:s25] =	ssyncset.done $0x0  }
0x79: {  	[sflag:s25] =	ssyncadd.s32 $0xFFFFC000  }
0x7a: {  	[hbm4b:s11+s3] =	stream.linear.scatter [tilespmem:s21], [sflag:$0x5], $0x4000, $0x38;
	[tilespmem:$0x10D00] =	vst v63  }
0x7b: {  	_ =	swait.ge [sflag:s14], $0x4000  }
0x7c: {  	[sflag:s14] =	ssyncset.done $0x0  }
0x7d: {  	[sflag:s14] =	ssyncadd.s32 $0xFFFFC000  }
0x7e: {  	_ =	swait.ge [sflag:s22], $0x4000  }
0x7f: {  	[sflag:s22] =	ssyncset.done $0x0  }
0x80: {  	[sflag:s22] =	ssyncadd.s32 $0xFFFFC000  }
0x81: {  	[hbm4b:s5+s3] =	stream.linear.scatter [tilespmem:s16], [sflag:$0x5], $0x4000, $0x38;
	[tilespmem:$0x10D00] =	vst v63  }
0x82: {  	_ =	swait.ge [sflag:s14], $0x4000  }
0x83: {  	[sflag:s14] =	ssyncset.done $0x0  }
0x84: {  	[sflag:s14] =	ssyncadd.s32 $0xFFFFC000  }
0x85: {  	s29 =	sadd.s32 $0x1, s29;
	_ =	swait.ge [sflag:s23], $0x4000  }
0x86: {  	p0 =	sne.s32 s29, s7;
	[sflag:s23] =	ssyncset.done $0x0  }
.Ltmp1:
0x87: {  	[sflag:s23] =	ssyncadd.s32 $0xFFFFC000;
	(pc) =	sbr.rel @p0 .LBB2_1-.Ltmp1, $4  }
0x88: {  	[hbm4b:s6+s3] =	stream.linear.scatter [tilespmem:s17], [sflag:$0x5], $0x4000, $0x38;
	[tilespmem:$0x10D00] =	vst v63  }
0x89: {  	_ =	swait.ge [sflag:s14], $0x4000  }
0x8a: {  	[sflag:s14] =	ssyncset.done $0x0  }
0x8b: {  	[sflag:s14] =	ssyncadd.s32 $0xFFFFC000  }
0x8c: {  	_ =	sfence.sel $0x180000  }
0x8d: {  	[bflag:$0x0] =	sbarrier.arrive $0xFFFF  }
0x8e: {  	_ =	strace $0x90000047  }
0x8f: {  	s0 =	stileid.u32;
	[bflag:$0x2] =	sbarrier.arrive $0xFFFF  }
0x90: {  	p0 =	sne.s32 s0, $0x0;
	s0 =	rddreg [dreg:$0x3]  }
0x91: {  	s0 =	sadd.s32 @!p0 $0x100000, s0  }
0x92: {  	[sflag:s0] =	ssyncadd.tile.s32 @!p0 $0x1;
	_ =	shalt  }
.Lfunc_end2:
_tile_overlayer_lowered:
.L_overlay_start_2:
0x93: {  	(tag) =	ssettag $0x2  }
0x94: {  	s0 =	rddreg [dreg:$0x0];
	s2 =	stileid.u32  }
0x95: {  	s1 =	rddreg [dreg:$0x1];
	p0 =	sne.s32 s2, $0x0  }
0x96: {  	s3 =	rddreg [dreg:$0x2];
	[bflag:$0x3] =	sbarrier.arrive $0xFFFF;
	s2 =	simm.s32 @!p0 $0x1C05  }
0x97: {  	[timem:s3], [sflag:s2] =	dma.local @!p0 [hbm:s0], s1  }
0x98: {  	s0 =	simm.s32 @!p0 $0x5  }
0x99: {  	_ =	swait.ge @!p0 [sflag:s0], s1  }
0x9a: {  	s1 =	ssub.s32 @!p0 $0x0, s1;
	[sflag:s0] =	ssyncset.done @!p0 $0x0  }
0x9b: {  	[sflag:s0] =	ssyncadd.s32 @!p0 s1  }
0x9c: {  	[bflag:$0x3] =	sbarrier.arrive $0xFFFF  }
0x9d: {  	_ =	shalt  }

// kernel: kernel.9.cloned.1.call-start
scs
__scs_entry_jumppad:
0x0: {  	(pc) =	sbr.rel $0x88, $3  }
0x1: {  	(tag) =	ssettag $0x0;
	lr =	simm.s32 $0x1  }
0x2: {  	[smem:$0x3F9B] =	sst lr;
	_ =	strace $0xD0000000  }
0x3: {  	_ = 	snop  }
0x4: {  	_ = 	snop  }
0x5: {  	_ = 	snop  }
0x6: {  	_ = 	snop  }
0x7: {  	_ = 	snop  }
__scs_overlays_trampoline_lowered:
0x8: {  	[smem:$0x3FAA] =	sst s0  }
0x9: {  	[smem:$0x3FAB] =	sst s1  }
0xa: {  	[smem:$0x3FAC] =	sst s2  }
0xb: {  	[smem:$0x3FAD] =	sst s3  }
0xc: {  	[smem:$0x3FAE] =	sst s4  }
0xd: {  	[smem:$0x3FAF] =	sst s5  }
0xe: {  	[smem:$0x3FB0] =	sst s6  }
0xf: {  	[smem:$0x3FB1] =	sst s7  }
0x10: {  	[smem:$0x3FB2] =	sst s8  }
0x11: {  	[smem:$0x3FB3] =	sst s9;
	s0 =	simm.s32 @!p0 $0x0  }
0x12: {  	s1 =	sld [smem:$0x3F99];
	s0 =	simm.s32 @p0 $0x1  }
0x13: {  	[smem:$0x3FB4] =	sst s0;
	s0 =	simm.s32 @!p1 $0x0  }
0x14: {  	s2 =	sld [smem:$0x3F98];
	s0 =	simm.s32 @p1 $0x1  }
0x15: {  	[smem:$0x3FB5] =	sst s0;
	s0 =	simm.s32 @!p2 $0x0  }
0x16: {  	s3 =	sld [smem:$0x3FDB];
	s0 =	simm.s32 @p2 $0x1  }
0x17: {  	s4 =	simm.s32 $0x1BF5;
	[smem:$0x3FB7] =	sst s0  }
0x18: {  	s0 =	sld [smem:$0x3F9A];
	_ =	swait.ge [sflag:s4], $0x0  }
0x19: {  	s7 =	sld [smem:$0x3F9B]  }
0x1a: {  	s8 =	sadd.s32 $0xFFFFE003, lr  }
0x1b: {  	s9 =	sadd.s32 $0xFFFFFEF7, lr;
	s5 =	simm.s32 $0xFFFFFFFF;
	p2 =	slt.u32 s8, $0xFFFFF086  }
0x1c: {  	p1 =	slt.u32 s9, $0xF7A;
	s5 =	simm.s32 @!p2 $0x0  }
0x1d: {  	s5 =	simm.s32 @p1 $0x1;
	p0 =	seq.s32 s7, s2  }
0x1e: {  	s7 =	smul.u32 @!p0 $0xF7A, s2;
	p2 =	seq.s32 @!p0 s5, $0x0  }
0x1f: {  	s9 =	smul.u32 $0xF7A, s1;
	s8 =	simm.s32 @!p0 $0x1BF5;
	p2 =	por !p2, p0  }
0x20: {  	[sflag:s8] =	ssyncset.s32 @!p0 $0xFFFFF086;
	s6 =	sadd.s32 @!p0 s3, s7;
	s7 =	simm.s32 @!p0 $0x108  }
0x21: {  	s3 =	sadd.s32 s3, s9;
	s6 =	sadd.s32 @!p0 $0x88, s6;
	s7 =	simm.s32 @p2 $0x1082  }
0x22: {  	[simem:s7], [sflag:s8] =	dma.local @!p0 [hbm:s6], $0xF7A  }
0x23: {  	s9 =	sor.u32 $0xD0000000, s2;
	s6 =	simm.s32 $0x108;
	_ =	swait.ge @!p0 [sflag:s8], $0x0  }
0x24: {  	s3 =	sadd.s32 $0x88, s3;
	s6 =	simm.s32 @!p1 $0x1082;
	[sflag:s4] =	ssyncset.s32 $0xFFFFF086  }
0x25: {  	[simem:s6], [sflag:s4] =	dma.local [hbm:s3], $0xF7A  }
0x26: {  	[smem:$0x3F9B] =	sst s1;
	(tag) =	ssettag s2;
	_ =	strace s9  }
0x27: {  	s1 =	sld [smem:$0x3FAB]  }
0x28: {  	s2 =	sld [smem:$0x3FAC]  }
0x29: {  	s4 =	sld [smem:$0x3FAE]  }
0x2a: {  	p0 =	seq.s32 s5, $0x0;
	s5 =	sld [smem:$0x3FAF]  }
0x2b: {  	s6 =	sld [smem:$0x3FB0]  }
0x2c: {  	s7 =	sld [smem:$0x3FB1]  }
0x2d: {  	s3 =	simm.s32 $0x108;
	s8 =	sld [smem:$0x3FB2]  }
0x2e: {  	s3 =	simm.s32 @!p0 $0x1082;
	s9 =	sld [smem:$0x3FB3]  }
0x2f: {  	lr =	sadd.s32 s0, s3;
	s0 =	sld [smem:$0x3FAA]  }
0x30: {  	s3 =	sld [smem:$0x3FAD]  }
0x31: {  	[smem:$0x3FB6] =	sst s10  }
0x32: {  	s10 =	sld [smem:$0x3FB4];
	_ =	sdelay $0x3  }
0x33: {  	p0 =	seq.s32 s10, $0x1;
	s10 =	sld [smem:$0x3FB6];
	_ =	sdelay $0x3  }
0x34: {  	[smem:$0x3FB6] =	sst s10  }
0x35: {  	s10 =	sld [smem:$0x3FB5];
	_ =	sdelay $0x3  }
0x36: {  	p1 =	seq.s32 s10, $0x1;
	s10 =	sld [smem:$0x3FB6];
	_ =	sdelay $0x3  }
0x37: {  	[smem:$0x3FB6] =	sst s10  }
0x38: {  	s10 =	sld [smem:$0x3FB7]  }
0x39: {  	_ = 	snop;
	(pc) =	sbr.ind lr, $3  }
0x3a: {  	_ = 	snop  }
0x3b: {  	_ = 	snop  }
0x3c: {  	p2 =	seq.s32 s10, $0x1;
	s10 =	sld [smem:$0x3FB6]  }
0x3d: {  	_ =	shalt  }
0x3e: {  	_ =	shalt  }
0x3f: {  	_ =	shalt  }
0x40: {  	_ =	shalt  }
0x41: {  	_ =	shalt  }
0x42: {  	_ =	shalt  }
0x43: {  	_ =	shalt  }
0x44: {  	_ =	shalt  }
0x45: {  	_ =	shalt  }
0x46: {  	_ =	shalt  }
0x47: {  	_ =	shalt  }
0x48: {  	_ =	shalt  }
0x49: {  	_ =	shalt  }
0x4a: {  	_ =	shalt  }
0x4b: {  	_ =	shalt  }
0x4c: {  	_ =	shalt  }
0x4d: {  	_ =	shalt  }
0x4e: {  	_ =	shalt  }
0x4f: {  	_ =	shalt  }
0x50: {  	_ =	shalt  }
0x51: {  	_ =	shalt  }
0x52: {  	_ =	shalt  }
0x53: {  	_ =	shalt  }
0x54: {  	_ =	shalt  }
0x55: {  	_ =	shalt  }
0x56: {  	_ =	shalt  }
0x57: {  	_ =	shalt  }
0x58: {  	_ =	shalt  }
0x59: {  	_ =	shalt  }
0x5a: {  	_ =	shalt  }
0x5b: {  	_ =	shalt  }
0x5c: {  	_ =	shalt  }
0x5d: {  	_ =	shalt  }
0x5e: {  	_ =	shalt  }
0x5f: {  	_ =	shalt  }
0x60: {  	_ =	shalt  }
0x61: {  	_ =	shalt  }
0x62: {  	_ =	shalt  }
0x63: {  	_ =	shalt  }
0x64: {  	_ =	shalt  }
0x65: {  	_ =	shalt  }
0x66: {  	_ =	shalt  }
0x67: {  	_ =	shalt  }
0x68: {  	_ =	shalt  }
0x69: {  	_ =	shalt  }
0x6a: {  	_ =	shalt  }
0x6b: {  	_ =	shalt  }
0x6c: {  	_ =	shalt  }
0x6d: {  	_ =	shalt  }
0x6e: {  	_ =	shalt  }
0x6f: {  	_ =	shalt  }
0x70: {  	_ =	shalt  }
0x71: {  	_ =	shalt  }
0x72: {  	_ =	shalt  }
0x73: {  	_ =	shalt  }
0x74: {  	_ =	shalt  }
0x75: {  	_ =	shalt  }
0x76: {  	_ =	shalt  }
0x77: {  	_ =	shalt  }
0x78: {  	_ =	shalt  }
0x79: {  	_ =	shalt  }
0x7a: {  	_ =	shalt  }
0x7b: {  	_ =	shalt  }
0x7c: {  	_ =	shalt  }
0x7d: {  	_ =	shalt  }
0x7e: {  	_ =	shalt  }
0x7f: {  	_ =	shalt  }
0x80: {  	_ =	shalt  }
0x81: {  	_ =	shalt  }
0x82: {  	_ =	shalt  }
0x83: {  	_ =	shalt  }
0x84: {  	_ =	shalt  }
0x85: {  	_ =	shalt  }
0x86: {  	_ =	shalt  }
0x87: {  	_ =	shalt  }
.Lfunc_end0:
.L_simem_size_0:
called_computation.1_lowered:
.L_overlay_start_0:
0x88: {  	s2 =	sld [smem:$0x3FD9]  }
0x89: {  	s3 =	sld [smem:$0x3FFE];
	_ =	sdelay $0x1  }
0x8a: {  	s1 =	srdreg.scid  }
0x8b: {  	s0 =	sand.u32 $0x1, s1  }
0x8c: {  	s17 =	sshll.u32 s0, $0xA;
	s2 =	sadd.s32 s3, s2  }
0x8d: {  	s2 =	sadd.s32 s2, s17  }
0x8e: {  	[smem:$0x3FC2] =	sst s2  }
0x8f: {  	_ = 	snop  }
0x90: {  	s18 =	sld [smem:$0x3FC7];
	(tm) =	ssettm $0x1  }
0x91: {  	s19 =	sld [smem:$0x3FFB];
	_ =	sdelay $0x3  }
0x92: {  	_ =	strace s19  }
0x93: {  	s2 =	sld [smem:$0x3FFC];
	_ =	sdelay $0x3  }
0x94: {  	_ =	strace s2  }
0x95: {  	s2 =	sld [smem:$0x3FFD];
	_ =	sdelay $0x3  }
0x96: {  	_ =	strace s2  }
0x97: {  	_ =	strace $0x8FFFFFFF  }
0x98: {  	s20 =	sld [smem:$0x3FDB];
	_ =	sdelay $0x1  }
0x99: {  	s4 =	simm.s32 $_scs_section_size  }
0x9a: {  	s5 =	simm.s32 $_size__tile_overlayer_lowered;
	s6 =	simm.s32 $_tile_overlayer_lowered  }
0x9b: {  	s7 =	simm.s32 $0x1BFF;
	s21 =	sshll.u32 s6, $0x1;
	s4 =	sadd.s32 s4, s20  }
0x9c: {  	s22 =	simm.s32 $0x0;
	s5 =	sshll.u32 s5, $0x1;
	s6 =	sadd.s32 s21, s4  }
0x9d: {  	[timem:s22], [sflag:s7] =	dma.local [hbm:s6], s5  }
0x9e: {  	_ =	swait.ge [sflag:s7], s5  }
0x9f: {  	s5 =	ssub.s32 $0x0, s5;
	[sflag:s7] =	ssyncset.done $0x0  }
0xa0: {  	[sflag:s7] =	ssyncadd.s32 s5;
	_ =	sdelay $0x1  }
0xa1: {  	s23 =	simm.s32 $0x1B8B  }
0xa2: {  	_ =	swait.ge [sflag:s23], $0x1  }
0xa3: {  	[sflag:s23] =	ssyncset.done $0x0  }
0xa4: {  	[sflag:s23] =	ssyncadd.s32 $0xFFFFFFFF  }
0xa5: {  	s5 =	sld [smem:$0x0]  }
0xa6: {  	s6 =	sand.u32 $0xFFFFFFFE, s1  }
0xa7: {  	p0 =	sne.s32 s1, s6  }
0xa8: {  	s6 =	sshll.u32 @p0 s6, $0xE  }
0xa9: {  	s6 =	sadd.s32 @p0 $0x11B8D, s6;
	s7 =	sshll.u32 @p0 s5, $0x11  }
0xaa: {  	s6 =	sor.u32 @p0 s7, s6  }
0xab: {  	[sflag:s6] =	ssyncadd.remote.s32 @p0 $0x1;
	_ =	sdelay $0x1  }
0xac: {  	s6 =	simm.s32 @p0 $0x1B8D  }
0xad: {  	_ =	swait.eq @p0 [sflag:s6], $0x1  }
0xae: {  	[sflag:s6] =	ssyncadd.s32 @p0 $0xFFFFFFFF  }
0xaf: {  	s7 =	sshll.u32 @!p0 s1, $0xE  }
0xb0: {  	s7 =	sor.u32 @!p0 $0x4000, s7;
	s6 =	simm.s32 @!p0 $0x1B8D  }
0xb1: {  	s5 =	sshll.u32 @!p0 s5, $0x11;
	s7 =	sadd.s32 @!p0 $0x11B8D, s7;
	_ =	swait.eq @!p0 [sflag:s6], $0x1  }
0xb2: {  	s5 =	sor.u32 @!p0 s5, s7;
	[sflag:s6] =	ssyncadd.s32 @!p0 $0xFFFFFFFF  }
0xb3: {  	s25 =	simm.s32 $0x1B8E;
	s24 =	sld [smem:$0x3FFE];
	[sflag:s5] =	ssyncadd.remote.s32 @!p0 $0x1  }
0xb4: {  	s26 =	simm.s32 $execute0_lowered;
	[smem:$0x3FD2] =	sst s25  }
0xb5: {  	s6 =	sshll.u32 s26, $0x1;
	_ =	strace $0x80000049;
	[dreg:$0x1] =	wrdreg $0xFFFFFFFF  }
0xb6: {  	s28 =	simm.s32 $_size_execute0_lowered;
	s4 =	sadd.s32 s4, s6;
	[dreg:$0x0] =	wrdreg $0x0  }
0xb7: {  	s6 =	sshll.u32 s28, $0x1;
	[dreg:$0x2] =	wrdreg s4  }
0xb8: {  	[dreg:$0x3] =	wrdreg s6  }
0xb9: {  	[dreg:$0x4] =	wrdreg $0xC0  }
0xba: {  	_ =	task [dreg:s22], $0x5FFFF  }
0xbb: {  	[dreg:$0x1] =	wrdreg $0xFFFFFFFF  }
0xbc: {  	[dreg:$0x0] =	wrdreg $0x60  }
0xbd: {  	[dreg:$0x2] =	wrdreg s24  }
0xbe: {  	[dreg:$0x3] =	wrdreg s18  }
0xbf: {  	[dreg:$0x4] =	wrdreg $0xA  }
0xc0: {  	_ =	task.clear_ibuf [dreg:s22], $0x5FFFF;
	_ =	strace $0x90000049  }
0xc1: {  	s29 =	simm.s32 $0xA;
	_ =	strace $0x8000004B  }
0xc2: {  	_ =	swait.ge [sflag:s29], $0x1  }
0xc3: {  	[sflag:s29] =	ssyncadd.s32 $0xFFFFFFFF  }
0xc4: {  	_ =	strace $0x9000004B  }
0xc5: {  	_ =	sfence  }
0xc6: {  	s30 =	sld [smem:$0x0];
	_ =	sdelay $0x2  }
0xc7: {  	s31 =	sshll.u32 s1, $0xD;
	s1 =	sshrl.u32 s1, $0x2  }
0xc8: {  	s4 =	sand.u32 $0x4000, s31;
	s1 =	sadd.s32 s1, s30  }
0xc9: {  	s0 =	sor.u32 s4, s0;
	s1 =	sshll.u32 s1, $0x11  }
0xca: {  	s0 =	sor.u32 s1, s0  }
0xcb: {  	s0 =	sadd.s32 $0x8F2B, s0  }
0xcc: {  	[sflag:s0] =	ssyncadd.remote.s32 $0x1  }
0xcd: {  	_ =	sfence.sel $0xFFFF  }
0xce: {  	[dreg:$0x0] =	wrdreg $0xFFFFFFFF;
	(pc) =	sbr.abs _section_cstart, $3  }
0xcf: {  	[dreg:$0x1] =	wrdreg $0xFFFFFFFF  }
0xd0: {  	_ =	task.clear_ibuf [dreg:s22], $0x2FFFF;
	_ =	strace $0x9FFFFFFF  }
0xd1: {  	(tm) =	ssettm $0x7FFFFFFF  }
tec
execute0_lowered:
.L_overlay_start_1:
0x0: {  	(tag) =	ssettag $0x1  }
0x1: {  	s1 =	srdreg.scid  }
0x2: {  	s0 =	stileid.u32;
	s4 =	rddreg [dreg:$0x0]  }
0x3: {  	s2 =	rddreg [dreg:$0x1];
	s3 =	simm.s32 $0x0;
	s15 =	simm.s32 $0x4C00  }
0x4: {  	s16 =	simm.s32 $0x100;
	s17 =	simm.s32 $0x8C00;
	s18 =	simm.s32 $0x180  }
0x5: {  	s19 =	simm.s32 $0xCC00;
	s20 =	simm.s32 $0x1;
	s21 =	simm.s32 $0x2  }
0x6: {  	s22 =	simm.s32 $0x3;
	s23 =	simm.s32 $0x4;
	s11 =	smul.u32 $0xC0000, s0  }
0x7: {  	s24 =	simm.s32 $0x0;
	s9 =	sand.u32 $0x1, s1;
	s14 =	smul.u32 $0x18000, s0  }
0x8: {  	s25 =	sshll.u32 s0, $0x1;
	s1 =	rddreg [dreg:$0x2];
	s13 =	smul.u32 $0x60000, s9  }
0x9: {  	[smem:$0x7FF] =	sst s3;
	s5 =	sor.u32 s9, s25;
	s30 =	smul.u32 $0xC000, s9  }
0xa: {  	s10 =	sadd.s32 $0x1A4000, s4;
	s7 =	ssub.s32 $0x2, s9;
	s6 =	smul.u32 $0xC00, s5  }
0xb: {  	_ =	strace $0x8000004A;
	s26 =	sshrl.u32 s7, $0x1;
	s8 =	smul.u32 $0x60000, s5  }
0xc: {  	s28 =	smul.u32 $0xC000, s5;
	s31 =	sadd.s32 s14, s10;
	s14 =	simm.s32 $0xC00  }
0xd: {  	s7 =	ssub.s32 s7, s26;
	s11 =	sadd.s32 s13, s11;
	s13 =	simm.s32 $0x80  }
0xe: {  	s6 =	sshrl.u32 s6, $0x3;
	s5 =	smax.u32 s7, $0x1;
	s29 =	sshrl.u32 s8, $0x3  }
0xf: {  	s12 =	sadd.s32 s10, s28;
	s11 =	sshrl.u32 s11, $0x3;
	s6 =	sadd.s32 s6, s4  }
0x10: {  	s7 =	sadd.s32 s10, s29;
	s8 =	sadd.s32 $0xB000, s12;
	s9 =	sadd.s32 $0xB800, s12  }
0x11: {  	s10 =	sadd.s32 s11, s10;
	s11 =	sadd.s32 s30, s31;
	s4 =	sadd.s32 $0x1A1000, s6  }
0x12: {  	s6 =	sadd.s32 $0xA000, s7;
	s7 =	sadd.s32 $0xA800, s12;
	s12 =	simm.s32 $0x5  }
.LBB2_1:
0x13: {  	[tilespmem:s3], [sflag:$0x5] =	stream.linear.gather [hbm4b:s4+s3], $0xC00, $0x38;
	[tilespmem:$0x10C00] =	vst v63  }
0x14: {  	_ =	swait.ge [sflag:s12], $0xC00  }
0x15: {  	[sflag:s12] =	ssyncset.done $0x0  }
0x16: {  	[sflag:s12] =	ssyncadd.s32 $0xFFFFF400  }
0x17: {  	[tilespmem:s14], [sflag:$0x1] =	stream.indirect.gather [hbm4b:s2+s13], $0x80, s3, s13, $0xb8;
	[tilespmem:$0x10C00] =	vst v63  }
0x18: {  	_ = 	snop  }
0x19: {  	[tilespmem:s15], [sflag:$0x2] =	stream.indirect.gather [hbm4b:s2+s13], $0x80, s13, s13, $0xb8;
	[tilespmem:$0x10C00] =	vst v63  }
0x1a: {  	_ = 	snop  }
0x1b: {  	[tilespmem:s17], [sflag:$0x3] =	stream.indirect.gather [hbm4b:s2+s13], $0x80, s16, s13, $0xb8;
	[tilespmem:$0x10C00] =	vst v63  }
0x1c: {  	_ = 	snop  }
0x1d: {  	[tilespmem:s19], [sflag:$0x4] =	stream.indirect.gather [hbm4b:s2+s13], $0x80, s18, s13, $0xb8;
	[tilespmem:$0x10C00] =	vst v63  }
0x1e: {  	_ =	swait.ge [sflag:s20], $0x4000  }
0x1f: {  	[sflag:s20] =	ssyncset.done $0x0  }
0x20: {  	s25 =	sadd.s32 $0x0, s10;
	[sflag:s20] =	ssyncadd.s32 $0xFFFFC000  }
0x21: {  	[hbm4b:s25+s3] =	stream.linear.scatter [tilespmem:s14], [sflag:$0x5], $0x4000, $0x38;
	[tilespmem:$0x10C00] =	vst v63  }
0x22: {  	_ =	swait.ge [sflag:s12], $0x4000  }
0x23: {  	[sflag:s12] =	ssyncset.done $0x0  }
0x24: {  	s26 =	simm.s32 $0x200;
	[sflag:s12] =	ssyncadd.s32 $0xFFFFC000  }
0x25: {  	[tilespmem:s14], [sflag:$0x1] =	stream.indirect.gather [hbm4b:s2+s13], $0x80, s26, s13, $0xb8;
	[tilespmem:$0x10C00] =	vst v63  }
0x26: {  	_ =	swait.ge [sflag:s21], $0x4000  }
0x27: {  	s25 =	sadd.s32 $0x0, s11;
	[sflag:s21] =	ssyncset.done $0x0  }
0x28: {  	s26 =	sadd.s32 $0x800, s25;
	[sflag:s21] =	ssyncadd.s32 $0xFFFFC000  }
0x29: {  	[hbm4b:s26+s3] =	stream.linear.scatter [tilespmem:s15], [sflag:$0x5], $0x4000, $0x38;
	[tilespmem:$0x10C00] =	vst v63  }
0x2a: {  	_ =	swait.ge [sflag:s12], $0x4000  }
0x2b: {  	[sflag:s12] =	ssyncset.done $0x0  }
0x2c: {  	s29 =	simm.s32 $0x280;
	[sflag:s12] =	ssyncadd.s32 $0xFFFFC000  }
0x2d: {  	[tilespmem:s15], [sflag:$0x2] =	stream.indirect.gather [hbm4b:s2+s13], $0x80, s29, s13, $0xb8;
	[tilespmem:$0x10C00] =	vst v63  }
0x2e: {  	_ =	swait.ge [sflag:s22], $0x4000  }
0x2f: {  	[sflag:s22] =	ssyncset.done $0x0  }
0x30: {  	s30 =	sadd.s32 $0x1000, s25;
	[sflag:s22] =	ssyncadd.s32 $0xFFFFC000  }
0x31: {  	[hbm4b:s30+s3] =	stream.linear.scatter [tilespmem:s17], [sflag:$0x5], $0x4000, $0x38;
	[tilespmem:$0x10C00] =	vst v63  }
0x32: {  	_ =	swait.ge [sflag:s12], $0x4000  }
0x33: {  	[sflag:s12] =	ssyncset.done $0x0  }
0x34: {  	s31 =	simm.s32 $0x300;
	[sflag:s12] =	ssyncadd.s32 $0xFFFFC000  }
0x35: {  	[tilespmem:s17], [sflag:$0x3] =	stream.indirect.gather [hbm4b:s2+s13], $0x80, s31, s13, $0xb8;
	[tilespmem:$0x10C00] =	vst v63  }
0x36: {  	_ =	swait.ge [sflag:s23], $0x4000  }
0x37: {  	[sflag:s23] =	ssyncset.done $0x0  }
0x38: {  	s25 =	sadd.s32 $0x1800, s25;
	[sflag:s23] =	ssyncadd.s32 $0xFFFFC000  }
0x39: {  	[hbm4b:s25+s3] =	stream.linear.scatter [tilespmem:s19], [sflag:$0x5], $0x4000, $0x38;
	[tilespmem:$0x10C00] =	vst v63  }
0x3a: {  	_ =	swait.ge [sflag:s12], $0x4000  }
0x3b: {  	s28 =	simm.s32 $0x580;
	[sflag:s12] =	ssyncset.done $0x0  }
0x3c: {  	s26 =	simm.s32 $0x2000;
	s25 =	simm.s32 $0x380;
	[sflag:s12] =	ssyncadd.s32 $0xFFFFC000  }
.LBB2_2:
0x3d: {  	[tilespmem:s19], [sflag:$0x4] =	stream.indirect.gather [hbm4b:s2+s13], $0x80, s25, s13, $0xb8;
	[tilespmem:$0x10C00] =	vst v63  }
0x3e: {  	s29 =	smov.u32 s26;
	s25 =	smov.u32 s28  }
0x3f: {  	p0 =	sne.s32 s26, $0x8000;
	s26 =	sadd.s32 $0x2000, s26;
	_ =	swait.ge [sflag:s20], $0x4000  }
0x40: {  	[sflag:s20] =	ssyncset.done $0x0  }
0x41: {  	s30 =	sadd.s32 s29, s10;
	[sflag:s20] =	ssyncadd.s32 $0xFFFFC000  }
0x42: {  	[hbm4b:s30+s3] =	stream.linear.scatter [tilespmem:s14], [sflag:$0x5], $0x4000, $0x38;
	[tilespmem:$0x10C00] =	vst v63  }
0x43: {  	_ =	swait.ge [sflag:s12], $0x4000  }
0x44: {  	[sflag:s12] =	ssyncset.done $0x0  }
0x45: {  	s30 =	sadd.s32 $0xFFFFFE80, s28;
	[sflag:s12] =	ssyncadd.s32 $0xFFFFC000  }
0x46: {  	[tilespmem:s14], [sflag:$0x1] =	stream.indirect.gather [hbm4b:s2+s13], $0x80, s30, s13, $0xb8;
	[tilespmem:$0x10C00] =	vst v63  }
0x47: {  	_ =	swait.ge [sflag:s21], $0x4000  }
0x48: {  	s29 =	sadd.s32 s29, s11;
	[sflag:s21] =	ssyncset.done $0x0  }
0x49: {  	s30 =	sadd.s32 $0x800, s29;
	[sflag:s21] =	ssyncadd.s32 $0xFFFFC000  }
0x4a: {  	[hbm4b:s30+s3] =	stream.linear.scatter [tilespmem:s15], [sflag:$0x5], $0x4000, $0x38;
	[tilespmem:$0x10C00] =	vst v63  }
0x4b: {  	_ =	swait.ge [sflag:s12], $0x4000  }
0x4c: {  	[sflag:s12] =	ssyncset.done $0x0  }
0x4d: {  	s30 =	sadd.s32 $0xFFFFFF00, s28;
	[sflag:s12] =	ssyncadd.s32 $0xFFFFC000  }
0x4e: {  	[tilespmem:s15], [sflag:$0x2] =	stream.indirect.gather [hbm4b:s2+s13], $0x80, s30, s13, $0xb8;
	[tilespmem:$0x10C00] =	vst v63  }
0x4f: {  	_ =	swait.ge [sflag:s22], $0x4000  }
0x50: {  	[sflag:s22] =	ssyncset.done $0x0  }
0x51: {  	s30 =	sadd.s32 $0x1000, s29;
	[sflag:s22] =	ssyncadd.s32 $0xFFFFC000  }
0x52: {  	[hbm4b:s30+s3] =	stream.linear.scatter [tilespmem:s17], [sflag:$0x5], $0x4000, $0x38;
	[tilespmem:$0x10C00] =	vst v63  }
0x53: {  	_ =	swait.ge [sflag:s12], $0x4000  }
0x54: {  	[sflag:s12] =	ssyncset.done $0x0  }
0x55: {  	s30 =	sadd.s32 $0xFFFFFF80, s28;
	[sflag:s12] =	ssyncadd.s32 $0xFFFFC000  }
0x56: {  	[tilespmem:s17], [sflag:$0x3] =	stream.indirect.gather [hbm4b:s2+s13], $0x80, s30, s13, $0xb8;
	[tilespmem:$0x10C00] =	vst v63  }
0x57: {  	_ =	swait.ge [sflag:s23], $0x4000  }
0x58: {  	[sflag:s23] =	ssyncset.done $0x0  }
.Ltmp0:
0x59: {  	s29 =	sadd.s32 $0x1800, s29;
	[sflag:s23] =	ssyncadd.s32 $0xFFFFC000;
	(pc) =	sbr.rel @p0 .LBB2_2-.Ltmp0, $4  }
0x5a: {  	[hbm4b:s29+s3] =	stream.linear.scatter [tilespmem:s19], [sflag:$0x5], $0x4000, $0x38;
	[tilespmem:$0x10C00] =	vst v63  }
0x5b: {  	_ =	swait.ge [sflag:s12], $0x4000  }
0x5c: {  	[sflag:s12] =	ssyncset.done $0x0  }
0x5d: {  	s28 =	sadd.s32 $0x200, s28;
	[sflag:s12] =	ssyncadd.s32 $0xFFFFC000  }
0x5e: {  	[tilespmem:s19], [sflag:$0x4] =	stream.indirect.gather [hbm4b:s2+s13], $0x80, s25, s13, $0xb8;
	[tilespmem:$0x10C00] =	vst v63  }
0x5f: {  	_ =	swait.ge [sflag:s20], $0x4000  }
0x60: {  	[sflag:s20] =	ssyncset.done $0x0  }
0x61: {  	[sflag:s20] =	ssyncadd.s32 $0xFFFFC000  }
0x62: {  	[hbm4b:s6+s3] =	stream.linear.scatter [tilespmem:s14], [sflag:$0x5], $0x4000, $0x38;
	[tilespmem:$0x10C00] =	vst v63  }
0x63: {  	_ =	swait.ge [sflag:s12], $0x4000  }
0x64: {  	[sflag:s12] =	ssyncset.done $0x0  }
0x65: {  	[sflag:s12] =	ssyncadd.s32 $0xFFFFC000  }
0x66: {  	_ =	swait.ge [sflag:s21], $0x4000  }
0x67: {  	[sflag:s21] =	ssyncset.done $0x0  }
0x68: {  	[sflag:s21] =	ssyncadd.s32 $0xFFFFC000  }
0x69: {  	[hbm4b:s7+s3] =	stream.linear.scatter [tilespmem:s15], [sflag:$0x5], $0x4000, $0x38;
	[tilespmem:$0x10C00] =	vst v63  }
0x6a: {  	_ =	swait.ge [sflag:s12], $0x4000  }
0x6b: {  	[sflag:s12] =	ssyncset.done $0x0  }
0x6c: {  	[sflag:s12] =	ssyncadd.s32 $0xFFFFC000  }
0x6d: {  	_ =	swait.ge [sflag:s22], $0x4000  }
0x6e: {  	[sflag:s22] =	ssyncset.done $0x0  }
0x6f: {  	[sflag:s22] =	ssyncadd.s32 $0xFFFFC000  }
0x70: {  	[hbm4b:s8+s3] =	stream.linear.scatter [tilespmem:s17], [sflag:$0x5], $0x4000, $0x38;
	[tilespmem:$0x10C00] =	vst v63  }
0x71: {  	_ =	swait.ge [sflag:s12], $0x4000  }
0x72: {  	[sflag:s12] =	ssyncset.done $0x0  }
0x73: {  	[sflag:s12] =	ssyncadd.s32 $0xFFFFC000  }
0x74: {  	s24 =	sadd.s32 $0x1, s24;
	_ =	swait.ge [sflag:s23], $0x4000  }
0x75: {  	p0 =	sne.s32 s24, s5;
	[sflag:s23] =	ssyncset.done $0x0  }
.Ltmp1:
0x76: {  	[sflag:s23] =	ssyncadd.s32 $0xFFFFC000;
	(pc) =	sbr.rel @p0 .LBB2_1-.Ltmp1, $4  }
0x77: {  	[hbm4b:s9+s3] =	stream.linear.scatter [tilespmem:s19], [sflag:$0x5], $0x4000, $0x38;
	[tilespmem:$0x10C00] =	vst v63  }
0x78: {  	_ =	swait.ge [sflag:s12], $0x4000  }
0x79: {  	[sflag:s12] =	ssyncset.done $0x0  }
0x7a: {  	[sflag:s12] =	ssyncadd.s32 $0xFFFFC000  }
0x7b: {  	_ =	sfence.sel $0x180000  }
0x7c: {  	[bflag:$0x0] =	sbarrier.arrive $0xFFFF  }
0x7d: {  	p0 =	sne.s32 s0, $0x0;
	_ =	strace $0x9000004A  }
0x7e: {  	s0 =	sadd.s32 @!p0 $0x100000, s1;
	[bflag:$0x2] =	sbarrier.arrive $0xFFFF  }
0x7f: {  	[sflag:s0] =	ssyncadd.tile.s32 @!p0 $0x1;
	_ =	shalt  }
.Lfunc_end2:
_tile_overlayer_lowered:
.L_overlay_start_2:
0x80: {  	(tag) =	ssettag $0x2  }
0x81: {  	s0 =	rddreg [dreg:$0x0];
	s2 =	stileid.u32  }
0x82: {  	s1 =	rddreg [dreg:$0x1];
	p0 =	sne.s32 s2, $0x0  }
0x83: {  	s3 =	rddreg [dreg:$0x2];
	[bflag:$0x3] =	sbarrier.arrive $0xFFFF;
	s2 =	simm.s32 @!p0 $0x1C05  }
0x84: {  	[timem:s3], [sflag:s2] =	dma.local @!p0 [hbm:s0], s1  }
0x85: {  	s0 =	simm.s32 @!p0 $0x5  }
0x86: {  	_ =	swait.ge @!p0 [sflag:s0], s1  }
0x87: {  	s1 =	ssub.s32 @!p0 $0x0, s1;
	[sflag:s0] =	ssyncset.done @!p0 $0x0  }
0x88: {  	[sflag:s0] =	ssyncadd.s32 @!p0 s1  }
0x89: {  	[bflag:$0x3] =	sbarrier.arrive $0xFFFF  }
0x8a: {  	_ =	shalt  }

</sc_bundles>
